<compile_context>
chip_gen: v7x
topology: tpu7x:2x2x1
jax: 0.10.2.dev20260603
libtpu: 0.0.44.dev20260713+nightly
codegen_flags: <defaults>
</compile_context>

<pallas_src>
import functools
import math

import jax
import jax.numpy as jnp
from jax import lax
from jax.experimental import pallas as pl
from jax.experimental.pallas import tpu as pltpu
from jax.experimental.pallas import tpu_sc as plsc

B = 16384
EMB_DIM = 64
OUT_DIM = 128
NUM_AGE = 5
NUM_GENDER = 2
NUM_ETH = 7
NUM_COMBO = NUM_AGE * NUM_GENDER * NUM_ETH

NC = 2
NS = 16
LANES = 16
NW = NC * NS
BPW = B // NW
CHUNK = 64
NCHUNK = BPW // CHUNK


def _lut_body(ea_ref, eg_ref, ee_ref, w_ref, b_ref, lut_ref):
    scale = jnp.float32(1.0 / math.sqrt(EMB_DIM * 3))
    w = w_ref[...] * scale
    dn = (((1,), (1,)), ((), ()))
    pa = lax.dot_general(ea_ref[...], w[:, 0:EMB_DIM], dn,
                         precision=lax.Precision.HIGHEST,
                         preferred_element_type=jnp.float32)
    pg = lax.dot_general(eg_ref[...], w[:, EMB_DIM:2 * EMB_DIM], dn,
                         precision=lax.Precision.HIGHEST,
                         preferred_element_type=jnp.float32)
    pe = lax.dot_general(ee_ref[...], w[:, 2 * EMB_DIM:3 * EMB_DIM], dn,
                         precision=lax.Precision.HIGHEST,
                         preferred_element_type=jnp.float32)

    def onehot(vals, n):
        j = lax.broadcasted_iota(jnp.int32, (NUM_COMBO, n), 1)
        return (j == vals).astype(jnp.float32)

    i_a = lax.broadcasted_iota(jnp.int32, (NUM_COMBO, NUM_AGE), 0)
    i_g = lax.broadcasted_iota(jnp.int32, (NUM_COMBO, NUM_GENDER), 0)
    i_e = lax.broadcasted_iota(jnp.int32, (NUM_COMBO, NUM_ETH), 0)
    sel_a = onehot(i_a // (NUM_GENDER * NUM_ETH), NUM_AGE)
    sel_g = onehot((i_g // NUM_ETH) % NUM_GENDER, NUM_GENDER)
    sel_e = onehot(i_e % NUM_ETH, NUM_ETH)

    dn2 = (((1,), (0,)), ((), ()))
    acc = lax.dot_general(sel_a, pa, dn2,
                          precision=lax.Precision.HIGHEST,
                          preferred_element_type=jnp.float32)
    acc = acc + lax.dot_general(sel_g, pg, dn2,
                                precision=lax.Precision.HIGHEST,
                                preferred_element_type=jnp.float32)
    acc = acc + lax.dot_general(sel_e, pe, dn2,
                                precision=lax.Precision.HIGHEST,
                                preferred_element_type=jnp.float32)
    acc = acc + b_ref[...]
    lut_ref[...] = jnp.where(acc >= 0, acc, jnp.float32(0.2) * acc)


def _build_lut(emb_age, emb_gender, emb_eth, W, b):
    return pl.pallas_call(
        _lut_body,
        out_shape=jax.ShapeDtypeStruct((NUM_COMBO, OUT_DIM), jnp.float32),
    )(emb_age, emb_gender, emb_eth, W, b.reshape(1, OUT_DIM))


def _gather_body(lut_hbm, age_hbm, gender_hbm, eth_hbm, out_hbm,
                 age_v, gen_v, eth_v, idx_v, rows_v, lut_s,
                 sem_in, sem_g, sem_out):
    cid = lax.axis_index("c")
    sid = lax.axis_index("s")
    wid = sid * NC + cid
    base = wid * BPW
    in_cp = [
        pltpu.async_copy(age_hbm.at[pl.ds(base, BPW)], age_v, sem_in),
        pltpu.async_copy(gender_hbm.at[pl.ds(base, BPW)], gen_v, sem_in),
        pltpu.async_copy(eth_hbm.at[pl.ds(base, BPW)], eth_v, sem_in),
    ]

    @pl.when(sid == 0)
    def _():
        pltpu.sync_copy(lut_hbm, lut_s)

    for cp in in_cp:
        cp.wait()

    kg = jnp.int32(NUM_GENDER * NUM_ETH)
    ke = jnp.int32(NUM_ETH)
    per_chunk = CHUNK // LANES
    for k in range(BPW // LANES):
        s = pl.ds(k * LANES, LANES)
        v = age_v[s] * kg + gen_v[s] * ke + eth_v[s]
        idx_v[k // per_chunk, pl.ds((k % per_chunk) * LANES, LANES)] = v

    plsc.subcore_barrier()

    gathers = [
        pltpu.async_copy(lut_s.at[idx_v.at[j]],
                         rows_v.at[pl.ds(j * CHUNK, CHUNK)], sem_g.at[j])
        for j in range(NCHUNK)
    ]
    out_cp = []
    for j in range(NCHUNK):
        gathers[j].wait()
        out_cp.append(pltpu.async_copy(
            rows_v.at[pl.ds(j * CHUNK, CHUNK)],
            out_hbm.at[pl.ds(base + j * CHUNK, CHUNK)], sem_out))
    for cp in out_cp:
        cp.wait()


@functools.cache
def _gather():
    return pl.kernel(
        _gather_body,
        out_type=jax.ShapeDtypeStruct((B, OUT_DIM), jnp.float32),
        mesh=plsc.VectorSubcoreMesh(core_axis_name="c", subcore_axis_name="s",
                                    num_cores=NC, num_subcores=NS),
        compiler_params=pltpu.CompilerParams(
            needs_layout_passes=False,
            disable_bounds_checks=True,
            disable_semaphore_checks=True,
        ),
        scratch_types=[
            pltpu.VMEM((BPW,), jnp.int32),
            pltpu.VMEM((BPW,), jnp.int32),
            pltpu.VMEM((BPW,), jnp.int32),
            pltpu.VMEM((NCHUNK, CHUNK), jnp.int32),
            pltpu.VMEM((BPW, OUT_DIM), jnp.float32),
            pltpu.VMEM_SHARED((NUM_COMBO, OUT_DIM), jnp.float32),
            pltpu.SemaphoreType.DMA,
            pltpu.SemaphoreType.DMA((NCHUNK,)),
            pltpu.SemaphoreType.DMA,
        ],
    )


@jax.jit
def kernel(age, gender, eth, emb_age, emb_gender, emb_eth, W, b):
    lut = _build_lut(emb_age, emb_gender, emb_eth, W, b)
    return _gather()(lut, age.astype(jnp.int32), gender.astype(jnp.int32),
                     eth.astype(jnp.int32))

# --- scband reference (transcript-rebuilt; emitter-appended) ---
"""Pipeline reference for scband-label-embedder-59244778881234 (READ-ONLY COPY).

The authoritative reference and input builder live on the scoring server;
editing this copy changes nothing except your own understanding.
"""

import jax, jax.numpy as jnp
import numpy as np

B = 16384
EMB_DIM = 64
OUT_DIM = 128
NUM_AGE = 5
NUM_GENDER = 2
NUM_ETH = 7


def setup_inputs(seed: int = 0) -> dict:
    key = jax.random.key(seed)
    ks = jax.random.split(key, 8)
    age = jax.random.randint(ks[0], (B,), 0, NUM_AGE, dtype=jnp.int64) if jax.config.jax_enable_x64 else jax.random.randint(ks[0], (B,), 0, NUM_AGE, dtype=jnp.int32)
    gender = jax.random.randint(ks[1], (B,), 0, NUM_GENDER, dtype=age.dtype)
    eth = jax.random.randint(ks[2], (B,), 0, NUM_ETH, dtype=age.dtype)
    emb_age = jax.random.normal(ks[3], (NUM_AGE, EMB_DIM), dtype=jnp.float32)
    emb_gender = jax.random.normal(ks[4], (NUM_GENDER, EMB_DIM), dtype=jnp.float32)
    emb_eth = jax.random.normal(ks[5], (NUM_ETH, EMB_DIM), dtype=jnp.float32)
    # EqualizedLinear: raw weight ~ N(0,1), runtime scale 1/sqrt(fan_in)
    W = jax.random.normal(ks[6], (OUT_DIM, EMB_DIM * 3), dtype=jnp.float32)
    b = jnp.zeros((OUT_DIM,), dtype=jnp.float32)
    return {"age": age, "gender": gender, "eth": eth,
            "emb_age": emb_age, "emb_gender": emb_gender, "emb_eth": emb_eth,
            "W": W, "b": b}


def reference(age, gender, eth, emb_age, emb_gender, emb_eth, W, b):
    ea = jnp.take(emb_age, age, axis=0)
    eg = jnp.take(emb_gender, gender, axis=0)
    ee = jnp.take(emb_eth, eth, axis=0)
    e = jnp.concatenate([ea, eg, ee], axis=1)
    scale = 1.0 / jnp.sqrt(jnp.array(EMB_DIM * 3, dtype=jnp.float32))
    y = e @ (W * scale).T + b
    # LeakyReLU(0.2)
    return jnp.where(y >= 0, y, 0.2 * y)

if __name__ == "__main__":
    import jax
    _d = setup_inputs()
    print(jax.jit(kernel)(*tuple(_d.values())))

</pallas_src>

<mosaic_0001>
#map = affine_map<(d0, d1) -> (0, 0)>
#map1 = affine_map<(d0, d1) -> (0)>
module attributes {stable_mosaic.version = 14 : i64} {
  func.func @_gather_body(%arg0: i32, %arg1: i32, %arg2: memref<70x128xf32, #tpu.memory_space<hbm>>, %arg3: memref<16384xi32, #tpu.memory_space<hbm>>, %arg4: memref<16384xi32, #tpu.memory_space<hbm>>, %arg5: memref<16384xi32, #tpu.memory_space<hbm>>, %arg6: memref<16384x128xf32, #tpu.memory_space<hbm>>, %arg7: memref<512xi32, #tpu.memory_space<vmem>>, %arg8: memref<512xi32, #tpu.memory_space<vmem>>, %arg9: memref<512xi32, #tpu.memory_space<vmem>>, %arg10: memref<8x64xi32, #tpu.memory_space<vmem>>, %arg11: memref<512x128xf32, #tpu.memory_space<vmem>>, %arg12: memref<70x128xf32, #tpu.memory_space<vmem_shared>>, %arg13: memref<!tpu.dma_semaphore, #tpu.memory_space<semaphore_mem>>, %arg14: memref<8x!tpu.dma_semaphore, #tpu.memory_space<semaphore_mem>>, %arg15: memref<!tpu.dma_semaphore, #tpu.memory_space<semaphore_mem>>) attributes {dimension_semantics = [#tpu.dimension_semantics<core_parallel>, #tpu.dimension_semantics<subcore_parallel>], iteration_bounds = array<i64: 2, 16>, scalar_prefetch = 0 : i64, scratch_operands = 9 : i64, tpu.core_type = #tpu.core_type<sc_vector_subcore>, window_params = [{transform_indices = #map}, {transform_indices = #map1}, {transform_indices = #map1}, {transform_indices = #map1}, {transform_indices = #map}]} {
    %mul3A = arith.constant 2 : i32
    %mul3A_0 = arith.muli %arg1, %mul3A : i32
    %add3A = arith.addi %mul3A_0, %arg0 : i32
    %mul3A_1 = arith.constant 512 : i32
    %mul3A_2 = arith.muli %add3A, %mul3A_1 : i32
    %dma_start3A = tpu.memref_slice %arg3[%mul3A_2] : memref<16384xi32, #tpu.memory_space<hbm>> -> memref<512xi32, #tpu.memory_space<hbm>>
    %dma_start3A_3 = tpu.memref_slice %arg3[%mul3A_2] : memref<16384xi32, #tpu.memory_space<hbm>> -> memref<512xi32, #tpu.memory_space<hbm>>
    tpu.enqueue_dma source(%dma_start3A_3 : memref<512xi32, #tpu.memory_space<hbm>>) target(%arg7 : memref<512xi32, #tpu.memory_space<vmem>>) target_semaphore(%arg13 : memref<!tpu.dma_semaphore, #tpu.memory_space<semaphore_mem>>)
    %dma_start3A_4 = tpu.memref_slice %arg4[%mul3A_2] : memref<16384xi32, #tpu.memory_space<hbm>> -> memref<512xi32, #tpu.memory_space<hbm>>
    %dma_start3A_5 = tpu.memref_slice %arg4[%mul3A_2] : memref<16384xi32, #tpu.memory_space<hbm>> -> memref<512xi32, #tpu.memory_space<hbm>>
    tpu.enqueue_dma source(%dma_start3A_5 : memref<512xi32, #tpu.memory_space<hbm>>) target(%arg8 : memref<512xi32, #tpu.memory_space<vmem>>) target_semaphore(%arg13 : memref<!tpu.dma_semaphore, #tpu.memory_space<semaphore_mem>>)
    %dma_start3A_6 = tpu.memref_slice %arg5[%mul3A_2] : memref<16384xi32, #tpu.memory_space<hbm>> -> memref<512xi32, #tpu.memory_space<hbm>>
    %dma_start3A_7 = tpu.memref_slice %arg5[%mul3A_2] : memref<16384xi32, #tpu.memory_space<hbm>> -> memref<512xi32, #tpu.memory_space<hbm>>
    tpu.enqueue_dma source(%dma_start3A_7 : memref<512xi32, #tpu.memory_space<hbm>>) target(%arg9 : memref<512xi32, #tpu.memory_space<vmem>>) target_semaphore(%arg13 : memref<!tpu.dma_semaphore, #tpu.memory_space<semaphore_mem>>)
    %eq3A = arith.constant 0 : i32
    %eq3A_8 = arith.cmpi eq, %arg1, %eq3A : i32
    %convert_element_type3A = arith.extui %eq3A_8 : i1 to i32
    %cond3A = arith.constant 0 : i32
    %cond3A_9 = arith.cmpi ne, %convert_element_type3A, %cond3A : i32
    scf.if %cond3A_9 {
      "tpu.region"() ({
        %run_scoped3A = tpu.sem_alloc : memref<!tpu.dma_semaphore, #tpu.memory_space<semaphore_mem>>
        tpu.enqueue_dma source(%arg2 : memref<70x128xf32, #tpu.memory_space<hbm>>) target(%arg12 : memref<70x128xf32, #tpu.memory_space<vmem_shared>>) target_semaphore(%run_scoped3A : memref<!tpu.dma_semaphore, #tpu.memory_space<semaphore_mem>>)
        tpu.wait_dma2 semaphore(%run_scoped3A : memref<!tpu.dma_semaphore, #tpu.memory_space<semaphore_mem>>) src(%arg2 : memref<70x128xf32, #tpu.memory_space<hbm>>) dst(%arg12 : memref<70x128xf32, #tpu.memory_space<vmem_shared>>)
        tpu.yield
      }) : () -> ()
    } else {
    }
    %dma_wait3A = tpu.memref_slice %arg3[%mul3A_2] : memref<16384xi32, #tpu.memory_space<hbm>> -> memref<512xi32, #tpu.memory_space<hbm>>
    %dma_wait3A_10 = tpu.memref_slice %arg3[%mul3A_2] : memref<16384xi32, #tpu.memory_space<hbm>> -> memref<512xi32, #tpu.memory_space<hbm>>
    tpu.wait_dma2 semaphore(%arg13 : memref<!tpu.dma_semaphore, #tpu.memory_space<semaphore_mem>>) src(%dma_wait3A_10 : memref<512xi32, #tpu.memory_space<hbm>>) dst(%arg7 : memref<512xi32, #tpu.memory_space<vmem>>)
    %dma_wait3A_11 = tpu.memref_slice %arg4[%mul3A_2] : memref<16384xi32, #tpu.memory_space<hbm>> -> memref<512xi32, #tpu.memory_space<hbm>>
    %dma_wait3A_12 = tpu.memref_slice %arg4[%mul3A_2] : memref<16384xi32, #tpu.memory_space<hbm>> -> memref<512xi32, #tpu.memory_space<hbm>>
    tpu.wait_dma2 semaphore(%arg13 : memref<!tpu.dma_semaphore, #tpu.memory_space<semaphore_mem>>) src(%dma_wait3A_12 : memref<512xi32, #tpu.memory_space<hbm>>) dst(%arg8 : memref<512xi32, #tpu.memory_space<vmem>>)
    %dma_wait3A_13 = tpu.memref_slice %arg5[%mul3A_2] : memref<16384xi32, #tpu.memory_space<hbm>> -> memref<512xi32, #tpu.memory_space<hbm>>
    %dma_wait3A_14 = tpu.memref_slice %arg5[%mul3A_2] : memref<16384xi32, #tpu.memory_space<hbm>> -> memref<512xi32, #tpu.memory_space<hbm>>
    tpu.wait_dma2 semaphore(%arg13 : memref<!tpu.dma_semaphore, #tpu.memory_space<semaphore_mem>>) src(%dma_wait3A_14 : memref<512xi32, #tpu.memory_space<hbm>>) dst(%arg9 : memref<512xi32, #tpu.memory_space<vmem>>)
    %get3A = arith.constant 0 : index
    %get3A_15 = tpu.vector_load %arg7[%get3A] {strides = array<i32>} : memref<512xi32, #tpu.memory_space<vmem>>, vector<16xi32>,
    %mul3A_16 = arith.constant 14 : i32
    %mul3A_17 = vector.broadcast %mul3A_16 : i32 to vector<16xi32>
    %mul3A_18 = arith.muli %get3A_15, %mul3A_17 : vector<16xi32>
    %get3A_19 = arith.constant 0 : index
    %get3A_20 = tpu.vector_load %arg8[%get3A_19] {strides = array<i32>} : memref<512xi32, #tpu.memory_space<vmem>>, vector<16xi32>,
    %mul3A_21 = arith.constant 7 : i32
    %mul3A_22 = vector.broadcast %mul3A_21 : i32 to vector<16xi32>
    %mul3A_23 = arith.muli %get3A_20, %mul3A_22 : vector<16xi32>
    %add3A_24 = arith.addi %mul3A_18, %mul3A_23 : vector<16xi32>
    %get3A_25 = arith.constant 0 : index
    %get3A_26 = tpu.vector_load %arg9[%get3A_25] {strides = array<i32>} : memref<512xi32, #tpu.memory_space<vmem>>, vector<16xi32>,
    %add3A_27 = arith.addi %add3A_24, %get3A_26 : vector<16xi32>
    %swap3A = arith.constant 0 : i32
    %swap3A_28 = arith.index_cast %swap3A : i32 to index
    %swap3A_29 = arith.constant 0 : index
    %swap3A_30 = tpu.vector_load %arg10[%swap3A_28, %swap3A_29] {strides = array<i32>} : memref<8x64xi32, #tpu.memory_space<vmem>>, vector<16xi32>,
    tpu.vector_store %arg10[%swap3A_28, %swap3A_29], %add3A_27 {strides = array<i32>} : memref<8x64xi32, #tpu.memory_space<vmem>>, vector<16xi32>,
    %get3A_31 = arith.constant 16 : index
    %get3A_32 = tpu.vector_load %arg7[%get3A_31] {strides = array<i32>} : memref<512xi32, #tpu.memory_space<vmem>>, vector<16xi32>,
    %mul3A_33 = arith.constant 14 : i32
    %mul3A_34 = vector.broadcast %mul3A_33 : i32 to vector<16xi32>
    %mul3A_35 = arith.muli %get3A_32, %mul3A_34 : vector<16xi32>
    %get3A_36 = arith.constant 16 : index
    %get3A_37 = tpu.vector_load %arg8[%get3A_36] {strides = array<i32>} : memref<512xi32, #tpu.memory_space<vmem>>, vector<16xi32>,
    %mul3A_38 = arith.constant 7 : i32
    %mul3A_39 = vector.broadcast %mul3A_38 : i32 to vector<16xi32>
    %mul3A_40 = arith.muli %get3A_37, %mul3A_39 : vector<16xi32>
    %add3A_41 = arith.addi %mul3A_35, %mul3A_40 : vector<16xi32>
    %get3A_42 = arith.constant 16 : index
    %get3A_43 = tpu.vector_load %arg9[%get3A_42] {strides = array<i32>} : memref<512xi32, #tpu.memory_space<vmem>>, vector<16xi32>,
    %add3A_44 = arith.addi %add3A_41, %get3A_43 : vector<16xi32>
    %swap3A_45 = arith.constant 0 : i32
    %swap3A_46 = arith.index_cast %swap3A_45 : i32 to index
    %swap3A_47 = arith.constant 16 : index
    %swap3A_48 = tpu.vector_load %arg10[%swap3A_46, %swap3A_47] {strides = array<i32>} : memref<8x64xi32, #tpu.memory_space<vmem>>, vector<16xi32>,
    tpu.vector_store %arg10[%swap3A_46, %swap3A_47], %add3A_44 {strides = array<i32>} : memref<8x64xi32, #tpu.memory_space<vmem>>, vector<16xi32>,
    %get3A_49 = arith.constant 32 : index
    %get3A_50 = tpu.vector_load %arg7[%get3A_49] {strides = array<i32>} : memref<512xi32, #tpu.memory_space<vmem>>, vector<16xi32>,
    %mul3A_51 = arith.constant 14 : i32
    %mul3A_52 = vector.broadcast %mul3A_51 : i32 to vector<16xi32>
    %mul3A_53 = arith.muli %get3A_50, %mul3A_52 : vector<16xi32>
    %get3A_54 = arith.constant 32 : index
    %get3A_55 = tpu.vector_load %arg8[%get3A_54] {strides = array<i32>} : memref<512xi32, #tpu.memory_space<vmem>>, vector<16xi32>,
    %mul3A_56 = arith.constant 7 : i32
    %mul3A_57 = vector.broadcast %mul3A_56 : i32 to vector<16xi32>
    %mul3A_58 = arith.muli %get3A_55, %mul3A_57 : vector<16xi32>
    %add3A_59 = arith.addi %mul3A_53, %mul3A_58 : vector<16xi32>
    %get3A_60 = arith.constant 32 : index
    %get3A_61 = tpu.vector_load %arg9[%get3A_60] {strides = array<i32>} : memref<512xi32, #tpu.memory_space<vmem>>, vector<16xi32>,
    %add3A_62 = arith.addi %add3A_59, %get3A_61 : vector<16xi32>
    %swap3A_63 = arith.constant 0 : i32
    %swap3A_64 = arith.index_cast %swap3A_63 : i32 to index
    %swap3A_65 = arith.constant 32 : index
    %swap3A_66 = tpu.vector_load %arg10[%swap3A_64, %swap3A_65] {strides = array<i32>} : memref<8x64xi32, #tpu.memory_space<vmem>>, vector<16xi32>,
    tpu.vector_store %arg10[%swap3A_64, %swap3A_65], %add3A_62 {strides = array<i32>} : memref<8x64xi32, #tpu.memory_space<vmem>>, vector<16xi32>,
    %get3A_67 = arith.constant 48 : index
    %get3A_68 = tpu.vector_load %arg7[%get3A_67] {strides = array<i32>} : memref<512xi32, #tpu.memory_space<vmem>>, vector<16xi32>,
    %mul3A_69 = arith.constant 14 : i32
    %mul3A_70 = vector.broadcast %mul3A_69 : i32 to vector<16xi32>
    %mul3A_71 = arith.muli %get3A_68, %mul3A_70 : vector<16xi32>
    %get3A_72 = arith.constant 48 : index
    %get3A_73 = tpu.vector_load %arg8[%get3A_72] {strides = array<i32>} : memref<512xi32, #tpu.memory_space<vmem>>, vector<16xi32>,
    %mul3A_74 = arith.constant 7 : i32
    %mul3A_75 = vector.broadcast %mul3A_74 : i32 to vector<16xi32>
    %mul3A_76 = arith.muli %get3A_73, %mul3A_75 : vector<16xi32>
    %add3A_77 = arith.addi %mul3A_71, %mul3A_76 : vector<16xi32>
    %get3A_78 = arith.constant 48 : index
    %get3A_79 = tpu.vector_load %arg9[%get3A_78] {strides = array<i32>} : memref<512xi32, #tpu.memory_space<vmem>>, vector<16xi32>,
    %add3A_80 = arith.addi %add3A_77, %get3A_79 : vector<16xi32>
    %swap3A_81 = arith.constant 0 : i32
    %swap3A_82 = arith.index_cast %swap3A_81 : i32 to index
    %swap3A_83 = arith.constant 48 : index
    %swap3A_84 = tpu.vector_load %arg10[%swap3A_82, %swap3A_83] {strides = array<i32>} : memref<8x64xi32, #tpu.memory_space<vmem>>, vector<16xi32>,
    tpu.vector_store %arg10[%swap3A_82, %swap3A_83], %add3A_80 {strides = array<i32>} : memref<8x64xi32, #tpu.memory_space<vmem>>, vector<16xi32>,
    %get3A_85 = arith.constant 64 : index
    %get3A_86 = tpu.vector_load %arg7[%get3A_85] {strides = array<i32>} : memref<512xi32, #tpu.memory_space<vmem>>, vector<16xi32>,
    %mul3A_87 = arith.constant 14 : i32
    %mul3A_88 = vector.broadcast %mul3A_87 : i32 to vector<16xi32>
    %mul3A_89 = arith.muli %get3A_86, %mul3A_88 : vector<16xi32>
    %get3A_90 = arith.constant 64 : index
    %get3A_91 = tpu.vector_load %arg8[%get3A_90] {strides = array<i32>} : memref<512xi32, #tpu.memory_space<vmem>>, vector<16xi32>,
    %mul3A_92 = arith.constant 7 : i32
    %mul3A_93 = vector.broadcast %mul3A_92 : i32 to vector<16xi32>
    %mul3A_94 = arith.muli %get3A_91, %mul3A_93 : vector<16xi32>
    %add3A_95 = arith.addi %mul3A_89, %mul3A_94 : vector<16xi32>
    %get3A_96 = arith.constant 64 : index
    %get3A_97 = tpu.vector_load %arg9[%get3A_96] {strides = array<i32>} : memref<512xi32, #tpu.memory_space<vmem>>, vector<16xi32>,
    %add3A_98 = arith.addi %add3A_95, %get3A_97 : vector<16xi32>
    %swap3A_99 = arith.constant 1 : i32
    %swap3A_100 = arith.index_cast %swap3A_99 : i32 to index
    %swap3A_101 = arith.constant 0 : index
    %swap3A_102 = tpu.vector_load %arg10[%swap3A_100, %swap3A_101] {strides = array<i32>} : memref<8x64xi32, #tpu.memory_space<vmem>>, vector<16xi32>,
    tpu.vector_store %arg10[%swap3A_100, %swap3A_101], %add3A_98 {strides = array<i32>} : memref<8x64xi32, #tpu.memory_space<vmem>>, vector<16xi32>,
    %get3A_103 = arith.constant 80 : index
    %get3A_104 = tpu.vector_load %arg7[%get3A_103] {strides = array<i32>} : memref<512xi32, #tpu.memory_space<vmem>>, vector<16xi32>,
    %mul3A_105 = arith.constant 14 : i32
    %mul3A_106 = vector.broadcast %mul3A_105 : i32 to vector<16xi32>
    %mul3A_107 = arith.muli %get3A_104, %mul3A_106 : vector<16xi32>
    %get3A_108 = arith.constant 80 : index
    %get3A_109 = tpu.vector_load %arg8[%get3A_108] {strides = array<i32>} : memref<512xi32, #tpu.memory_space<vmem>>, vector<16xi32>,
    %mul3A_110 = arith.constant 7 : i32
    %mul3A_111 = vector.broadcast %mul3A_110 : i32 to vector<16xi32>
    %mul3A_112 = arith.muli %get3A_109, %mul3A_111 : vector<16xi32>
    %add3A_113 = arith.addi %mul3A_107, %mul3A_112 : vector<16xi32>
    %get3A_114 = arith.constant 80 : index
    %get3A_115 = tpu.vector_load %arg9[%get3A_114] {strides = array<i32>} : memref<512xi32, #tpu.memory_space<vmem>>, vector<16xi32>,
    %add3A_116 = arith.addi %add3A_113, %get3A_115 : vector<16xi32>
    %swap3A_117 = arith.constant 1 : i32
    %swap3A_118 = arith.index_cast %swap3A_117 : i32 to index
    %swap3A_119 = arith.constant 16 : index
    %swap3A_120 = tpu.vector_load %arg10[%swap3A_118, %swap3A_119] {strides = array<i32>} : memref<8x64xi32, #tpu.memory_space<vmem>>, vector<16xi32>,
    tpu.vector_store %arg10[%swap3A_118, %swap3A_119], %add3A_116 {strides = array<i32>} : memref<8x64xi32, #tpu.memory_space<vmem>>, vector<16xi32>,
    %get3A_121 = arith.constant 96 : index
    %get3A_122 = tpu.vector_load %arg7[%get3A_121] {strides = array<i32>} : memref<512xi32, #tpu.memory_space<vmem>>, vector<16xi32>,
    %mul3A_123 = arith.constant 14 : i32
    %mul3A_124 = vector.broadcast %mul3A_123 : i32 to vector<16xi32>
    %mul3A_125 = arith.muli %get3A_122, %mul3A_124 : vector<16xi32>
    %get3A_126 = arith.constant 96 : index
    %get3A_127 = tpu.vector_load %arg8[%get3A_126] {strides = array<i32>} : memref<512xi32, #tpu.memory_space<vmem>>, vector<16xi32>,
    %mul3A_128 = arith.constant 7 : i32
    %mul3A_129 = vector.broadcast %mul3A_128 : i32 to vector<16xi32>
    %mul3A_130 = arith.muli %get3A_127, %mul3A_129 : vector<16xi32>
    %add3A_131 = arith.addi %mul3A_125, %mul3A_130 : vector<16xi32>
    %get3A_132 = arith.constant 96 : index
    %get3A_133 = tpu.vector_load %arg9[%get3A_132] {strides = array<i32>} : memref<512xi32, #tpu.memory_space<vmem>>, vector<16xi32>,
    %add3A_134 = arith.addi %add3A_131, %get3A_133 : vector<16xi32>
    %swap3A_135 = arith.constant 1 : i32
    %swap3A_136 = arith.index_cast %swap3A_135 : i32 to index
    %swap3A_137 = arith.constant 32 : index
    %swap3A_138 = tpu.vector_load %arg10[%swap3A_136, %swap3A_137] {strides = array<i32>} : memref<8x64xi32, #tpu.memory_space<vmem>>, vector<16xi32>,
    tpu.vector_store %arg10[%swap3A_136, %swap3A_137], %add3A_134 {strides = array<i32>} : memref<8x64xi32, #tpu.memory_space<vmem>>, vector<16xi32>,
    %get3A_139 = arith.constant 112 : index
    %get3A_140 = tpu.vector_load %arg7[%get3A_139] {strides = array<i32>} : memref<512xi32, #tpu.memory_space<vmem>>, vector<16xi32>,
    %mul3A_141 = arith.constant 14 : i32
    %mul3A_142 = vector.broadcast %mul3A_141 : i32 to vector<16xi32>
    %mul3A_143 = arith.muli %get3A_140, %mul3A_142 : vector<16xi32>
    %get3A_144 = arith.constant 112 : index
    %get3A_145 = tpu.vector_load %arg8[%get3A_144] {strides = array<i32>} : memref<512xi32, #tpu.memory_space<vmem>>, vector<16xi32>,
    %mul3A_146 = arith.constant 7 : i32
    %mul3A_147 = vector.broadcast %mul3A_146 : i32 to vector<16xi32>
    %mul3A_148 = arith.muli %get3A_145, %mul3A_147 : vector<16xi32>
    %add3A_149 = arith.addi %mul3A_143, %mul3A_148 : vector<16xi32>
    %get3A_150 = arith.constant 112 : index
    %get3A_151 = tpu.vector_load %arg9[%get3A_150] {strides = array<i32>} : memref<512xi32, #tpu.memory_space<vmem>>, vector<16xi32>,
    %add3A_152 = arith.addi %add3A_149, %get3A_151 : vector<16xi32>
    %swap3A_153 = arith.constant 1 : i32
    %swap3A_154 = arith.index_cast %swap3A_153 : i32 to index
    %swap3A_155 = arith.constant 48 : index
    %swap3A_156 = tpu.vector_load %arg10[%swap3A_154, %swap3A_155] {strides = array<i32>} : memref<8x64xi32, #tpu.memory_space<vmem>>, vector<16xi32>,
    tpu.vector_store %arg10[%swap3A_154, %swap3A_155], %add3A_152 {strides = array<i32>} : memref<8x64xi32, #tpu.memory_space<vmem>>, vector<16xi32>,
    %get3A_157 = arith.constant 128 : index
    %get3A_158 = tpu.vector_load %arg7[%get3A_157] {strides = array<i32>} : memref<512xi32, #tpu.memory_space<vmem>>, vector<16xi32>,
    %mul3A_159 = arith.constant 14 : i32
    %mul3A_160 = vector.broadcast %mul3A_159 : i32 to vector<16xi32>
    %mul3A_161 = arith.muli %get3A_158, %mul3A_160 : vector<16xi32>
    %get3A_162 = arith.constant 128 : index
    %get3A_163 = tpu.vector_load %arg8[%get3A_162] {strides = array<i32>} : memref<512xi32, #tpu.memory_space<vmem>>, vector<16xi32>,
    %mul3A_164 = arith.constant 7 : i32
    %mul3A_165 = vector.broadcast %mul3A_164 : i32 to vector<16xi32>
    %mul3A_166 = arith.muli %get3A_163, %mul3A_165 : vector<16xi32>
    %add3A_167 = arith.addi %mul3A_161, %mul3A_166 : vector<16xi32>
    %get3A_168 = arith.constant 128 : index
    %get3A_169 = tpu.vector_load %arg9[%get3A_168] {strides = array<i32>} : memref<512xi32, #tpu.memory_space<vmem>>, vector<16xi32>,
    %add3A_170 = arith.addi %add3A_167, %get3A_169 : vector<16xi32>
    %swap3A_171 = arith.constant 2 : i32
    %swap3A_172 = arith.index_cast %swap3A_171 : i32 to index
    %swap3A_173 = arith.constant 0 : index
    %swap3A_174 = tpu.vector_load %arg10[%swap3A_172, %swap3A_173] {strides = array<i32>} : memref<8x64xi32, #tpu.memory_space<vmem>>, vector<16xi32>,
    tpu.vector_store %arg10[%swap3A_172, %swap3A_173], %add3A_170 {strides = array<i32>} : memref<8x64xi32, #tpu.memory_space<vmem>>, vector<16xi32>,
    %get3A_175 = arith.constant 144 : index
    %get3A_176 = tpu.vector_load %arg7[%get3A_175] {strides = array<i32>} : memref<512xi32, #tpu.memory_space<vmem>>, vector<16xi32>,
    %mul3A_177 = arith.constant 14 : i32
    %mul3A_178 = vector.broadcast %mul3A_177 : i32 to vector<16xi32>
    %mul3A_179 = arith.muli %get3A_176, %mul3A_178 : vector<16xi32>
    %get3A_180 = arith.constant 144 : index
    %get3A_181 = tpu.vector_load %arg8[%get3A_180] {strides = array<i32>} : memref<512xi32, #tpu.memory_space<vmem>>, vector<16xi32>,
    %mul3A_182 = arith.constant 7 : i32
    %mul3A_183 = vector.broadcast %mul3A_182 : i32 to vector<16xi32>
    %mul3A_184 = arith.muli %get3A_181, %mul3A_183 : vector<16xi32>
    %add3A_185 = arith.addi %mul3A_179, %mul3A_184 : vector<16xi32>
    %get3A_186 = arith.constant 144 : index
    %get3A_187 = tpu.vector_load %arg9[%get3A_186] {strides = array<i32>} : memref<512xi32, #tpu.memory_space<vmem>>, vector<16xi32>,
    %add3A_188 = arith.addi %add3A_185, %get3A_187 : vector<16xi32>
    %swap3A_189 = arith.constant 2 : i32
    %swap3A_190 = arith.index_cast %swap3A_189 : i32 to index
    %swap3A_191 = arith.constant 16 : index
    %swap3A_192 = tpu.vector_load %arg10[%swap3A_190, %swap3A_191] {strides = array<i32>} : memref<8x64xi32, #tpu.memory_space<vmem>>, vector<16xi32>,
    tpu.vector_store %arg10[%swap3A_190, %swap3A_191], %add3A_188 {strides = array<i32>} : memref<8x64xi32, #tpu.memory_space<vmem>>, vector<16xi32>,
    %get3A_193 = arith.constant 160 : index
    %get3A_194 = tpu.vector_load %arg7[%get3A_193] {strides = array<i32>} : memref<512xi32, #tpu.memory_space<vmem>>, vector<16xi32>,
    %mul3A_195 = arith.constant 14 : i32
    %mul3A_196 = vector.broadcast %mul3A_195 : i32 to vector<16xi32>
    %mul3A_197 = arith.muli %get3A_194, %mul3A_196 : vector<16xi32>
    %get3A_198 = arith.constant 160 : index
    %get3A_199 = tpu.vector_load %arg8[%get3A_198] {strides = array<i32>} : memref<512xi32, #tpu.memory_space<vmem>>, vector<16xi32>,
    %mul3A_200 = arith.constant 7 : i32
    %mul3A_201 = vector.broadcast %mul3A_200 : i32 to vector<16xi32>
    %mul3A_202 = arith.muli %get3A_199, %mul3A_201 : vector<16xi32>
    %add3A_203 = arith.addi %mul3A_197, %mul3A_202 : vector<16xi32>
    %get3A_204 = arith.constant 160 : index
    %get3A_205 = tpu.vector_load %arg9[%get3A_204] {strides = array<i32>} : memref<512xi32, #tpu.memory_space<vmem>>, vector<16xi32>,
    %add3A_206 = arith.addi %add3A_203, %get3A_205 : vector<16xi32>
    %swap3A_207 = arith.constant 2 : i32
    %swap3A_208 = arith.index_cast %swap3A_207 : i32 to index
    %swap3A_209 = arith.constant 32 : index
    %swap3A_210 = tpu.vector_load %arg10[%swap3A_208, %swap3A_209] {strides = array<i32>} : memref<8x64xi32, #tpu.memory_space<vmem>>, vector<16xi32>,
    tpu.vector_store %arg10[%swap3A_208, %swap3A_209], %add3A_206 {strides = array<i32>} : memref<8x64xi32, #tpu.memory_space<vmem>>, vector<16xi32>,
    %get3A_211 = arith.constant 176 : index
    %get3A_212 = tpu.vector_load %arg7[%get3A_211] {strides = array<i32>} : memref<512xi32, #tpu.memory_space<vmem>>, vector<16xi32>,
    %mul3A_213 = arith.constant 14 : i32
    %mul3A_214 = vector.broadcast %mul3A_213 : i32 to vector<16xi32>
    %mul3A_215 = arith.muli %get3A_212, %mul3A_214 : vector<16xi32>
    %get3A_216 = arith.constant 176 : index
    %get3A_217 = tpu.vector_load %arg8[%get3A_216] {strides = array<i32>} : memref<512xi32, #tpu.memory_space<vmem>>, vector<16xi32>,
    %mul3A_218 = arith.constant 7 : i32
    %mul3A_219 = vector.broadcast %mul3A_218 : i32 to vector<16xi32>
    %mul3A_220 = arith.muli %get3A_217, %mul3A_219 : vector<16xi32>
    %add3A_221 = arith.addi %mul3A_215, %mul3A_220 : vector<16xi32>
    %get3A_222 = arith.constant 176 : index
    %get3A_223 = tpu.vector_load %arg9[%get3A_222] {strides = array<i32>} : memref<512xi32, #tpu.memory_space<vmem>>, vector<16xi32>,
    %add3A_224 = arith.addi %add3A_221, %get3A_223 : vector<16xi32>
    %swap3A_225 = arith.constant 2 : i32
    %swap3A_226 = arith.index_cast %swap3A_225 : i32 to index
    %swap3A_227 = arith.constant 48 : index
    %swap3A_228 = tpu.vector_load %arg10[%swap3A_226, %swap3A_227] {strides = array<i32>} : memref<8x64xi32, #tpu.memory_space<vmem>>, vector<16xi32>,
    tpu.vector_store %arg10[%swap3A_226, %swap3A_227], %add3A_224 {strides = array<i32>} : memref<8x64xi32, #tpu.memory_space<vmem>>, vector<16xi32>,
    %get3A_229 = arith.constant 192 : index
    %get3A_230 = tpu.vector_load %arg7[%get3A_229] {strides = array<i32>} : memref<512xi32, #tpu.memory_space<vmem>>, vector<16xi32>,
    %mul3A_231 = arith.constant 14 : i32
    %mul3A_232 = vector.broadcast %mul3A_231 : i32 to vector<16xi32>
    %mul3A_233 = arith.muli %get3A_230, %mul3A_232 : vector<16xi32>
    %get3A_234 = arith.constant 192 : index
    %get3A_235 = tpu.vector_load %arg8[%get3A_234] {strides = array<i32>} : memref<512xi32, #tpu.memory_space<vmem>>, vector<16xi32>,
    %mul3A_236 = arith.constant 7 : i32
    %mul3A_237 = vector.broadcast %mul3A_236 : i32 to vector<16xi32>
    %mul3A_238 = arith.muli %get3A_235, %mul3A_237 : vector<16xi32>
    %add3A_239 = arith.addi %mul3A_233, %mul3A_238 : vector<16xi32>
    %get3A_240 = arith.constant 192 : index
    %get3A_241 = tpu.vector_load %arg9[%get3A_240] {strides = array<i32>} : memref<512xi32, #tpu.memory_space<vmem>>, vector<16xi32>,
    %add3A_242 = arith.addi %add3A_239, %get3A_241 : vector<16xi32>
    %swap3A_243 = arith.constant 3 : i32
    %swap3A_244 = arith.index_cast %swap3A_243 : i32 to index
    %swap3A_245 = arith.constant 0 : index
    %swap3A_246 = tpu.vector_load %arg10[%swap3A_244, %swap3A_245] {strides = array<i32>} : memref<8x64xi32, #tpu.memory_space<vmem>>, vector<16xi32>,
    tpu.vector_store %arg10[%swap3A_244, %swap3A_245], %add3A_242 {strides = array<i32>} : memref<8x64xi32, #tpu.memory_space<vmem>>, vector<16xi32>,
    %get3A_247 = arith.constant 208 : index
    %get3A_248 = tpu.vector_load %arg7[%get3A_247] {strides = array<i32>} : memref<512xi32, #tpu.memory_space<vmem>>, vector<16xi32>,
    %mul3A_249 = arith.constant 14 : i32
    %mul3A_250 = vector.broadcast %mul3A_249 : i32 to vector<16xi32>
    %mul3A_251 = arith.muli %get3A_248, %mul3A_250 : vector<16xi32>
    %get3A_252 = arith.constant 208 : index
    %get3A_253 = tpu.vector_load %arg8[%get3A_252] {strides = array<i32>} : memref<512xi32, #tpu.memory_space<vmem>>, vector<16xi32>,
    %mul3A_254 = arith.constant 7 : i32
    %mul3A_255 = vector.broadcast %mul3A_254 : i32 to vector<16xi32>
    %mul3A_256 = arith.muli %get3A_253, %mul3A_255 : vector<16xi32>
    %add3A_257 = arith.addi %mul3A_251, %mul3A_256 : vector<16xi32>
    %get3A_258 = arith.constant 208 : index
    %get3A_259 = tpu.vector_load %arg9[%get3A_258] {strides = array<i32>} : memref<512xi32, #tpu.memory_space<vmem>>, vector<16xi32>,
    %add3A_260 = arith.addi %add3A_257, %get3A_259 : vector<16xi32>
    %swap3A_261 = arith.constant 3 : i32
    %swap3A_262 = arith.index_cast %swap3A_261 : i32 to index
    %swap3A_263 = arith.constant 16 : index
    %swap3A_264 = tpu.vector_load %arg10[%swap3A_262, %swap3A_263] {strides = array<i32>} : memref<8x64xi32, #tpu.memory_space<vmem>>, vector<16xi32>,
    tpu.vector_store %arg10[%swap3A_262, %swap3A_263], %add3A_260 {strides = array<i32>} : memref<8x64xi32, #tpu.memory_space<vmem>>, vector<16xi32>,
    %get3A_265 = arith.constant 224 : index
    %get3A_266 = tpu.vector_load %arg7[%get3A_265] {strides = array<i32>} : memref<512xi32, #tpu.memory_space<vmem>>, vector<16xi32>,
    %mul3A_267 = arith.constant 14 : i32
    %mul3A_268 = vector.broadcast %mul3A_267 : i32 to vector<16xi32>
    %mul3A_269 = arith.muli %get3A_266, %mul3A_268 : vector<16xi32>
    %get3A_270 = arith.constant 224 : index
    %get3A_271 = tpu.vector_load %arg8[%get3A_270] {strides = array<i32>} : memref<512xi32, #tpu.memory_space<vmem>>, vector<16xi32>,
    %mul3A_272 = arith.constant 7 : i32
    %mul3A_273 = vector.broadcast %mul3A_272 : i32 to vector<16xi32>
    %mul3A_274 = arith.muli %get3A_271, %mul3A_273 : vector<16xi32>
    %add3A_275 = arith.addi %mul3A_269, %mul3A_274 : vector<16xi32>
    %get3A_276 = arith.constant 224 : index
    %get3A_277 = tpu.vector_load %arg9[%get3A_276] {strides = array<i32>} : memref<512xi32, #tpu.memory_space<vmem>>, vector<16xi32>,
    %add3A_278 = arith.addi %add3A_275, %get3A_277 : vector<16xi32>
    %swap3A_279 = arith.constant 3 : i32
    %swap3A_280 = arith.index_cast %swap3A_279 : i32 to index
    %swap3A_281 = arith.constant 32 : index
    %swap3A_282 = tpu.vector_load %arg10[%swap3A_280, %swap3A_281] {strides = array<i32>} : memref<8x64xi32, #tpu.memory_space<vmem>>, vector<16xi32>,
    tpu.vector_store %arg10[%swap3A_280, %swap3A_281], %add3A_278 {strides = array<i32>} : memref<8x64xi32, #tpu.memory_space<vmem>>, vector<16xi32>,
    %get3A_283 = arith.constant 240 : index
    %get3A_284 = tpu.vector_load %arg7[%get3A_283] {strides = array<i32>} : memref<512xi32, #tpu.memory_space<vmem>>, vector<16xi32>,
    %mul3A_285 = arith.constant 14 : i32
    %mul3A_286 = vector.broadcast %mul3A_285 : i32 to vector<16xi32>
    %mul3A_287 = arith.muli %get3A_284, %mul3A_286 : vector<16xi32>
    %get3A_288 = arith.constant 240 : index
    %get3A_289 = tpu.vector_load %arg8[%get3A_288] {strides = array<i32>} : memref<512xi32, #tpu.memory_space<vmem>>, vector<16xi32>,
    %mul3A_290 = arith.constant 7 : i32
    %mul3A_291 = vector.broadcast %mul3A_290 : i32 to vector<16xi32>
    %mul3A_292 = arith.muli %get3A_289, %mul3A_291 : vector<16xi32>
    %add3A_293 = arith.addi %mul3A_287, %mul3A_292 : vector<16xi32>
    %get3A_294 = arith.constant 240 : index
    %get3A_295 = tpu.vector_load %arg9[%get3A_294] {strides = array<i32>} : memref<512xi32, #tpu.memory_space<vmem>>, vector<16xi32>,
    %add3A_296 = arith.addi %add3A_293, %get3A_295 : vector<16xi32>
    %swap3A_297 = arith.constant 3 : i32
    %swap3A_298 = arith.index_cast %swap3A_297 : i32 to index
    %swap3A_299 = arith.constant 48 : index
    %swap3A_300 = tpu.vector_load %arg10[%swap3A_298, %swap3A_299] {strides = array<i32>} : memref<8x64xi32, #tpu.memory_space<vmem>>, vector<16xi32>,
    tpu.vector_store %arg10[%swap3A_298, %swap3A_299], %add3A_296 {strides = array<i32>} : memref<8x64xi32, #tpu.memory_space<vmem>>, vector<16xi32>,
    %get3A_301 = arith.constant 256 : index
    %get3A_302 = tpu.vector_load %arg7[%get3A_301] {strides = array<i32>} : memref<512xi32, #tpu.memory_space<vmem>>, vector<16xi32>,
    %mul3A_303 = arith.constant 14 : i32
    %mul3A_304 = vector.broadcast %mul3A_303 : i32 to vector<16xi32>
    %mul3A_305 = arith.muli %get3A_302, %mul3A_304 : vector<16xi32>
    %get3A_306 = arith.constant 256 : index
    %get3A_307 = tpu.vector_load %arg8[%get3A_306] {strides = array<i32>} : memref<512xi32, #tpu.memory_space<vmem>>, vector<16xi32>,
    %mul3A_308 = arith.constant 7 : i32
    %mul3A_309 = vector.broadcast %mul3A_308 : i32 to vector<16xi32>
    %mul3A_310 = arith.muli %get3A_307, %mul3A_309 : vector<16xi32>
    %add3A_311 = arith.addi %mul3A_305, %mul3A_310 : vector<16xi32>
    %get3A_312 = arith.constant 256 : index
    %get3A_313 = tpu.vector_load %arg9[%get3A_312] {strides = array<i32>} : memref<512xi32, #tpu.memory_space<vmem>>, vector<16xi32>,
    %add3A_314 = arith.addi %add3A_311, %get3A_313 : vector<16xi32>
    %swap3A_315 = arith.constant 4 : i32
    %swap3A_316 = arith.index_cast %swap3A_315 : i32 to index
    %swap3A_317 = arith.constant 0 : index
    %swap3A_318 = tpu.vector_load %arg10[%swap3A_316, %swap3A_317] {strides = array<i32>} : memref<8x64xi32, #tpu.memory_space<vmem>>, vector<16xi32>,
    tpu.vector_store %arg10[%swap3A_316, %swap3A_317], %add3A_314 {strides = array<i32>} : memref<8x64xi32, #tpu.memory_space<vmem>>, vector<16xi32>,
    %get3A_319 = arith.constant 272 : index
    %get3A_320 = tpu.vector_load %arg7[%get3A_319] {strides = array<i32>} : memref<512xi32, #tpu.memory_space<vmem>>, vector<16xi32>,
    %mul3A_321 = arith.constant 14 : i32
    %mul3A_322 = vector.broadcast %mul3A_321 : i32 to vector<16xi32>
    %mul3A_323 = arith.muli %get3A_320, %mul3A_322 : vector<16xi32>
    %get3A_324 = arith.constant 272 : index
    %get3A_325 = tpu.vector_load %arg8[%get3A_324] {strides = array<i32>} : memref<512xi32, #tpu.memory_space<vmem>>, vector<16xi32>,
    %mul3A_326 = arith.constant 7 : i32
    %mul3A_327 = vector.broadcast %mul3A_326 : i32 to vector<16xi32>
    %mul3A_328 = arith.muli %get3A_325, %mul3A_327 : vector<16xi32>
    %add3A_329 = arith.addi %mul3A_323, %mul3A_328 : vector<16xi32>
    %get3A_330 = arith.constant 272 : index
    %get3A_331 = tpu.vector_load %arg9[%get3A_330] {strides = array<i32>} : memref<512xi32, #tpu.memory_space<vmem>>, vector<16xi32>,
    %add3A_332 = arith.addi %add3A_329, %get3A_331 : vector<16xi32>
    %swap3A_333 = arith.constant 4 : i32
    %swap3A_334 = arith.index_cast %swap3A_333 : i32 to index
    %swap3A_335 = arith.constant 16 : index
    %swap3A_336 = tpu.vector_load %arg10[%swap3A_334, %swap3A_335] {strides = array<i32>} : memref<8x64xi32, #tpu.memory_space<vmem>>, vector<16xi32>,
    tpu.vector_store %arg10[%swap3A_334, %swap3A_335], %add3A_332 {strides = array<i32>} : memref<8x64xi32, #tpu.memory_space<vmem>>, vector<16xi32>,
    %get3A_337 = arith.constant 288 : index
    %get3A_338 = tpu.vector_load %arg7[%get3A_337] {strides = array<i32>} : memref<512xi32, #tpu.memory_space<vmem>>, vector<16xi32>,
    %mul3A_339 = arith.constant 14 : i32
    %mul3A_340 = vector.broadcast %mul3A_339 : i32 to vector<16xi32>
    %mul3A_341 = arith.muli %get3A_338, %mul3A_340 : vector<16xi32>
    %get3A_342 = arith.constant 288 : index
    %get3A_343 = tpu.vector_load %arg8[%get3A_342] {strides = array<i32>} : memref<512xi32, #tpu.memory_space<vmem>>, vector<16xi32>,
    %mul3A_344 = arith.constant 7 : i32
    %mul3A_345 = vector.broadcast %mul3A_344 : i32 to vector<16xi32>
    %mul3A_346 = arith.muli %get3A_343, %mul3A_345 : vector<16xi32>
    %add3A_347 = arith.addi %mul3A_341, %mul3A_346 : vector<16xi32>
    %get3A_348 = arith.constant 288 : index
    %get3A_349 = tpu.vector_load %arg9[%get3A_348] {strides = array<i32>} : memref<512xi32, #tpu.memory_space<vmem>>, vector<16xi32>,
    %add3A_350 = arith.addi %add3A_347, %get3A_349 : vector<16xi32>
    %swap3A_351 = arith.constant 4 : i32
    %swap3A_352 = arith.index_cast %swap3A_351 : i32 to index
    %swap3A_353 = arith.constant 32 : index
    %swap3A_354 = tpu.vector_load %arg10[%swap3A_352, %swap3A_353] {strides = array<i32>} : memref<8x64xi32, #tpu.memory_space<vmem>>, vector<16xi32>,
    tpu.vector_store %arg10[%swap3A_352, %swap3A_353], %add3A_350 {strides = array<i32>} : memref<8x64xi32, #tpu.memory_space<vmem>>, vector<16xi32>,
    %get3A_355 = arith.constant 304 : index
    %get3A_356 = tpu.vector_load %arg7[%get3A_355] {strides = array<i32>} : memref<512xi32, #tpu.memory_space<vmem>>, vector<16xi32>,
    %mul3A_357 = arith.constant 14 : i32
    %mul3A_358 = vector.broadcast %mul3A_357 : i32 to vector<16xi32>
    %mul3A_359 = arith.muli %get3A_356, %mul3A_358 : vector<16xi32>
    %get3A_360 = arith.constant 304 : index
    %get3A_361 = tpu.vector_load %arg8[%get3A_360] {strides = array<i32>} : memref<512xi32, #tpu.memory_space<vmem>>, vector<16xi32>,
    %mul3A_362 = arith.constant 7 : i32
    %mul3A_363 = vector.broadcast %mul3A_362 : i32 to vector<16xi32>
    %mul3A_364 = arith.muli %get3A_361, %mul3A_363 : vector<16xi32>
    %add3A_365 = arith.addi %mul3A_359, %mul3A_364 : vector<16xi32>
    %get3A_366 = arith.constant 304 : index
    %get3A_367 = tpu.vector_load %arg9[%get3A_366] {strides = array<i32>} : memref<512xi32, #tpu.memory_space<vmem>>, vector<16xi32>,
    %add3A_368 = arith.addi %add3A_365, %get3A_367 : vector<16xi32>
    %swap3A_369 = arith.constant 4 : i32
    %swap3A_370 = arith.index_cast %swap3A_369 : i32 to index
    %swap3A_371 = arith.constant 48 : index
    %swap3A_372 = tpu.vector_load %arg10[%swap3A_370, %swap3A_371] {strides = array<i32>} : memref<8x64xi32, #tpu.memory_space<vmem>>, vector<16xi32>,
    tpu.vector_store %arg10[%swap3A_370, %swap3A_371], %add3A_368 {strides = array<i32>} : memref<8x64xi32, #tpu.memory_space<vmem>>, vector<16xi32>,
    %get3A_373 = arith.constant 320 : index
    %get3A_374 = tpu.vector_load %arg7[%get3A_373] {strides = array<i32>} : memref<512xi32, #tpu.memory_space<vmem>>, vector<16xi32>,
    %mul3A_375 = arith.constant 14 : i32
    %mul3A_376 = vector.broadcast %mul3A_375 : i32 to vector<16xi32>
    %mul3A_377 = arith.muli %get3A_374, %mul3A_376 : vector<16xi32>
    %get3A_378 = arith.constant 320 : index
    %get3A_379 = tpu.vector_load %arg8[%get3A_378] {strides = array<i32>} : memref<512xi32, #tpu.memory_space<vmem>>, vector<16xi32>,
    %mul3A_380 = arith.constant 7 : i32
    %mul3A_381 = vector.broadcast %mul3A_380 : i32 to vector<16xi32>
    %mul3A_382 = arith.muli %get3A_379, %mul3A_381 : vector<16xi32>
    %add3A_383 = arith.addi %mul3A_377, %mul3A_382 : vector<16xi32>
    %get3A_384 = arith.constant 320 : index
    %get3A_385 = tpu.vector_load %arg9[%get3A_384] {strides = array<i32>} : memref<512xi32, #tpu.memory_space<vmem>>, vector<16xi32>,
    %add3A_386 = arith.addi %add3A_383, %get3A_385 : vector<16xi32>
    %swap3A_387 = arith.constant 5 : i32
    %swap3A_388 = arith.index_cast %swap3A_387 : i32 to index
    %swap3A_389 = arith.constant 0 : index
    %swap3A_390 = tpu.vector_load %arg10[%swap3A_388, %swap3A_389] {strides = array<i32>} : memref<8x64xi32, #tpu.memory_space<vmem>>, vector<16xi32>,
    tpu.vector_store %arg10[%swap3A_388, %swap3A_389], %add3A_386 {strides = array<i32>} : memref<8x64xi32, #tpu.memory_space<vmem>>, vector<16xi32>,
    %get3A_391 = arith.constant 336 : index
    %get3A_392 = tpu.vector_load %arg7[%get3A_391] {strides = array<i32>} : memref<512xi32, #tpu.memory_space<vmem>>, vector<16xi32>,
    %mul3A_393 = arith.constant 14 : i32
    %mul3A_394 = vector.broadcast %mul3A_393 : i32 to vector<16xi32>
    %mul3A_395 = arith.muli %get3A_392, %mul3A_394 : vector<16xi32>
    %get3A_396 = arith.constant 336 : index
    %get3A_397 = tpu.vector_load %arg8[%get3A_396] {strides = array<i32>} : memref<512xi32, #tpu.memory_space<vmem>>, vector<16xi32>,
    %mul3A_398 = arith.constant 7 : i32
    %mul3A_399 = vector.broadcast %mul3A_398 : i32 to vector<16xi32>
    %mul3A_400 = arith.muli %get3A_397, %mul3A_399 : vector<16xi32>
    %add3A_401 = arith.addi %mul3A_395, %mul3A_400 : vector<16xi32>
    %get3A_402 = arith.constant 336 : index
    %get3A_403 = tpu.vector_load %arg9[%get3A_402] {strides = array<i32>} : memref<512xi32, #tpu.memory_space<vmem>>, vector<16xi32>,
    %add3A_404 = arith.addi %add3A_401, %get3A_403 : vector<16xi32>
    %swap3A_405 = arith.constant 5 : i32
    %swap3A_406 = arith.index_cast %swap3A_405 : i32 to index
    %swap3A_407 = arith.constant 16 : index
    %swap3A_408 = tpu.vector_load %arg10[%swap3A_406, %swap3A_407] {strides = array<i32>} : memref<8x64xi32, #tpu.memory_space<vmem>>, vector<16xi32>,
    tpu.vector_store %arg10[%swap3A_406, %swap3A_407], %add3A_404 {strides = array<i32>} : memref<8x64xi32, #tpu.memory_space<vmem>>, vector<16xi32>,
    %get3A_409 = arith.constant 352 : index
    %get3A_410 = tpu.vector_load %arg7[%get3A_409] {strides = array<i32>} : memref<512xi32, #tpu.memory_space<vmem>>, vector<16xi32>,
    %mul3A_411 = arith.constant 14 : i32
    %mul3A_412 = vector.broadcast %mul3A_411 : i32 to vector<16xi32>
    %mul3A_413 = arith.muli %get3A_410, %mul3A_412 : vector<16xi32>
    %get3A_414 = arith.constant 352 : index
    %get3A_415 = tpu.vector_load %arg8[%get3A_414] {strides = array<i32>} : memref<512xi32, #tpu.memory_space<vmem>>, vector<16xi32>,
    %mul3A_416 = arith.constant 7 : i32
    %mul3A_417 = vector.broadcast %mul3A_416 : i32 to vector<16xi32>
    %mul3A_418 = arith.muli %get3A_415, %mul3A_417 : vector<16xi32>
    %add3A_419 = arith.addi %mul3A_413, %mul3A_418 : vector<16xi32>
    %get3A_420 = arith.constant 352 : index
    %get3A_421 = tpu.vector_load %arg9[%get3A_420] {strides = array<i32>} : memref<512xi32, #tpu.memory_space<vmem>>, vector<16xi32>,
    %add3A_422 = arith.addi %add3A_419, %get3A_421 : vector<16xi32>
    %swap3A_423 = arith.constant 5 : i32
    %swap3A_424 = arith.index_cast %swap3A_423 : i32 to index
    %swap3A_425 = arith.constant 32 : index
    %swap3A_426 = tpu.vector_load %arg10[%swap3A_424, %swap3A_425] {strides = array<i32>} : memref<8x64xi32, #tpu.memory_space<vmem>>, vector<16xi32>,
    tpu.vector_store %arg10[%swap3A_424, %swap3A_425], %add3A_422 {strides = array<i32>} : memref<8x64xi32, #tpu.memory_space<vmem>>, vector<16xi32>,
    %get3A_427 = arith.constant 368 : index
    %get3A_428 = tpu.vector_load %arg7[%get3A_427] {strides = array<i32>} : memref<512xi32, #tpu.memory_space<vmem>>, vector<16xi32>,
    %mul3A_429 = arith.constant 14 : i32
    %mul3A_430 = vector.broadcast %mul3A_429 : i32 to vector<16xi32>
    %mul3A_431 = arith.muli %get3A_428, %mul3A_430 : vector<16xi32>
    %get3A_432 = arith.constant 368 : index
    %get3A_433 = tpu.vector_load %arg8[%get3A_432] {strides = array<i32>} : memref<512xi32, #tpu.memory_space<vmem>>, vector<16xi32>,
    %mul3A_434 = arith.constant 7 : i32
    %mul3A_435 = vector.broadcast %mul3A_434 : i32 to vector<16xi32>
    %mul3A_436 = arith.muli %get3A_433, %mul3A_435 : vector<16xi32>
    %add3A_437 = arith.addi %mul3A_431, %mul3A_436 : vector<16xi32>
    %get3A_438 = arith.constant 368 : index
    %get3A_439 = tpu.vector_load %arg9[%get3A_438] {strides = array<i32>} : memref<512xi32, #tpu.memory_space<vmem>>, vector<16xi32>,
    %add3A_440 = arith.addi %add3A_437, %get3A_439 : vector<16xi32>
    %swap3A_441 = arith.constant 5 : i32
    %swap3A_442 = arith.index_cast %swap3A_441 : i32 to index
    %swap3A_443 = arith.constant 48 : index
    %swap3A_444 = tpu.vector_load %arg10[%swap3A_442, %swap3A_443] {strides = array<i32>} : memref<8x64xi32, #tpu.memory_space<vmem>>, vector<16xi32>,
    tpu.vector_store %arg10[%swap3A_442, %swap3A_443], %add3A_440 {strides = array<i32>} : memref<8x64xi32, #tpu.memory_space<vmem>>, vector<16xi32>,
    %get3A_445 = arith.constant 384 : index
    %get3A_446 = tpu.vector_load %arg7[%get3A_445] {strides = array<i32>} : memref<512xi32, #tpu.memory_space<vmem>>, vector<16xi32>,
    %mul3A_447 = arith.constant 14 : i32
    %mul3A_448 = vector.broadcast %mul3A_447 : i32 to vector<16xi32>
    %mul3A_449 = arith.muli %get3A_446, %mul3A_448 : vector<16xi32>
    %get3A_450 = arith.constant 384 : index
    %get3A_451 = tpu.vector_load %arg8[%get3A_450] {strides = array<i32>} : memref<512xi32, #tpu.memory_space<vmem>>, vector<16xi32>,
    %mul3A_452 = arith.constant 7 : i32
    %mul3A_453 = vector.broadcast %mul3A_452 : i32 to vector<16xi32>
    %mul3A_454 = arith.muli %get3A_451, %mul3A_453 : vector<16xi32>
    %add3A_455 = arith.addi %mul3A_449, %mul3A_454 : vector<16xi32>
    %get3A_456 = arith.constant 384 : index
    %get3A_457 = tpu.vector_load %arg9[%get3A_456] {strides = array<i32>} : memref<512xi32, #tpu.memory_space<vmem>>, vector<16xi32>,
    %add3A_458 = arith.addi %add3A_455, %get3A_457 : vector<16xi32>
    %swap3A_459 = arith.constant 6 : i32
    %swap3A_460 = arith.index_cast %swap3A_459 : i32 to index
    %swap3A_461 = arith.constant 0 : index
    %swap3A_462 = tpu.vector_load %arg10[%swap3A_460, %swap3A_461] {strides = array<i32>} : memref<8x64xi32, #tpu.memory_space<vmem>>, vector<16xi32>,
    tpu.vector_store %arg10[%swap3A_460, %swap3A_461], %add3A_458 {strides = array<i32>} : memref<8x64xi32, #tpu.memory_space<vmem>>, vector<16xi32>,
    %get3A_463 = arith.constant 400 : index
    %get3A_464 = tpu.vector_load %arg7[%get3A_463] {strides = array<i32>} : memref<512xi32, #tpu.memory_space<vmem>>, vector<16xi32>,
    %mul3A_465 = arith.constant 14 : i32
    %mul3A_466 = vector.broadcast %mul3A_465 : i32 to vector<16xi32>
    %mul3A_467 = arith.muli %get3A_464, %mul3A_466 : vector<16xi32>
    %get3A_468 = arith.constant 400 : index
    %get3A_469 = tpu.vector_load %arg8[%get3A_468] {strides = array<i32>} : memref<512xi32, #tpu.memory_space<vmem>>, vector<16xi32>,
    %mul3A_470 = arith.constant 7 : i32
    %mul3A_471 = vector.broadcast %mul3A_470 : i32 to vector<16xi32>
    %mul3A_472 = arith.muli %get3A_469, %mul3A_471 : vector<16xi32>
    %add3A_473 = arith.addi %mul3A_467, %mul3A_472 : vector<16xi32>
    %get3A_474 = arith.constant 400 : index
    %get3A_475 = tpu.vector_load %arg9[%get3A_474] {strides = array<i32>} : memref<512xi32, #tpu.memory_space<vmem>>, vector<16xi32>,
    %add3A_476 = arith.addi %add3A_473, %get3A_475 : vector<16xi32>
    %swap3A_477 = arith.constant 6 : i32
    %swap3A_478 = arith.index_cast %swap3A_477 : i32 to index
    %swap3A_479 = arith.constant 16 : index
    %swap3A_480 = tpu.vector_load %arg10[%swap3A_478, %swap3A_479] {strides = array<i32>} : memref<8x64xi32, #tpu.memory_space<vmem>>, vector<16xi32>,
    tpu.vector_store %arg10[%swap3A_478, %swap3A_479], %add3A_476 {strides = array<i32>} : memref<8x64xi32, #tpu.memory_space<vmem>>, vector<16xi32>,
    %get3A_481 = arith.constant 416 : index
    %get3A_482 = tpu.vector_load %arg7[%get3A_481] {strides = array<i32>} : memref<512xi32, #tpu.memory_space<vmem>>, vector<16xi32>,
    %mul3A_483 = arith.constant 14 : i32
    %mul3A_484 = vector.broadcast %mul3A_483 : i32 to vector<16xi32>
    %mul3A_485 = arith.muli %get3A_482, %mul3A_484 : vector<16xi32>
    %get3A_486 = arith.constant 416 : index
    %get3A_487 = tpu.vector_load %arg8[%get3A_486] {strides = array<i32>} : memref<512xi32, #tpu.memory_space<vmem>>, vector<16xi32>,
    %mul3A_488 = arith.constant 7 : i32
    %mul3A_489 = vector.broadcast %mul3A_488 : i32 to vector<16xi32>
    %mul3A_490 = arith.muli %get3A_487, %mul3A_489 : vector<16xi32>
    %add3A_491 = arith.addi %mul3A_485, %mul3A_490 : vector<16xi32>
    %get3A_492 = arith.constant 416 : index
    %get3A_493 = tpu.vector_load %arg9[%get3A_492] {strides = array<i32>} : memref<512xi32, #tpu.memory_space<vmem>>, vector<16xi32>,
    %add3A_494 = arith.addi %add3A_491, %get3A_493 : vector<16xi32>
    %swap3A_495 = arith.constant 6 : i32
    %swap3A_496 = arith.index_cast %swap3A_495 : i32 to index
    %swap3A_497 = arith.constant 32 : index
    %swap3A_498 = tpu.vector_load %arg10[%swap3A_496, %swap3A_497] {strides = array<i32>} : memref<8x64xi32, #tpu.memory_space<vmem>>, vector<16xi32>,
    tpu.vector_store %arg10[%swap3A_496, %swap3A_497], %add3A_494 {strides = array<i32>} : memref<8x64xi32, #tpu.memory_space<vmem>>, vector<16xi32>,
    %get3A_499 = arith.constant 432 : index
    %get3A_500 = tpu.vector_load %arg7[%get3A_499] {strides = array<i32>} : memref<512xi32, #tpu.memory_space<vmem>>, vector<16xi32>,
    %mul3A_501 = arith.constant 14 : i32
    %mul3A_502 = vector.broadcast %mul3A_501 : i32 to vector<16xi32>
    %mul3A_503 = arith.muli %get3A_500, %mul3A_502 : vector<16xi32>
    %get3A_504 = arith.constant 432 : index
    %get3A_505 = tpu.vector_load %arg8[%get3A_504] {strides = array<i32>} : memref<512xi32, #tpu.memory_space<vmem>>, vector<16xi32>,
    %mul3A_506 = arith.constant 7 : i32
    %mul3A_507 = vector.broadcast %mul3A_506 : i32 to vector<16xi32>
    %mul3A_508 = arith.muli %get3A_505, %mul3A_507 : vector<16xi32>
    %add3A_509 = arith.addi %mul3A_503, %mul3A_508 : vector<16xi32>
    %get3A_510 = arith.constant 432 : index
    %get3A_511 = tpu.vector_load %arg9[%get3A_510] {strides = array<i32>} : memref<512xi32, #tpu.memory_space<vmem>>, vector<16xi32>,
    %add3A_512 = arith.addi %add3A_509, %get3A_511 : vector<16xi32>
    %swap3A_513 = arith.constant 6 : i32
    %swap3A_514 = arith.index_cast %swap3A_513 : i32 to index
    %swap3A_515 = arith.constant 48 : index
    %swap3A_516 = tpu.vector_load %arg10[%swap3A_514, %swap3A_515] {strides = array<i32>} : memref<8x64xi32, #tpu.memory_space<vmem>>, vector<16xi32>,
    tpu.vector_store %arg10[%swap3A_514, %swap3A_515], %add3A_512 {strides = array<i32>} : memref<8x64xi32, #tpu.memory_space<vmem>>, vector<16xi32>,
    %get3A_517 = arith.constant 448 : index
    %get3A_518 = tpu.vector_load %arg7[%get3A_517] {strides = array<i32>} : memref<512xi32, #tpu.memory_space<vmem>>, vector<16xi32>,
    %mul3A_519 = arith.constant 14 : i32
    %mul3A_520 = vector.broadcast %mul3A_519 : i32 to vector<16xi32>
    %mul3A_521 = arith.muli %get3A_518, %mul3A_520 : vector<16xi32>
    %get3A_522 = arith.constant 448 : index
    %get3A_523 = tpu.vector_load %arg8[%get3A_522] {strides = array<i32>} : memref<512xi32, #tpu.memory_space<vmem>>, vector<16xi32>,
    %mul3A_524 = arith.constant 7 : i32
    %mul3A_525 = vector.broadcast %mul3A_524 : i32 to vector<16xi32>
    %mul3A_526 = arith.muli %get3A_523, %mul3A_525 : vector<16xi32>
    %add3A_527 = arith.addi %mul3A_521, %mul3A_526 : vector<16xi32>
    %get3A_528 = arith.constant 448 : index
    %get3A_529 = tpu.vector_load %arg9[%get3A_528] {strides = array<i32>} : memref<512xi32, #tpu.memory_space<vmem>>, vector<16xi32>,
    %add3A_530 = arith.addi %add3A_527, %get3A_529 : vector<16xi32>
    %swap3A_531 = arith.constant 7 : i32
    %swap3A_532 = arith.index_cast %swap3A_531 : i32 to index
    %swap3A_533 = arith.constant 0 : index
    %swap3A_534 = tpu.vector_load %arg10[%swap3A_532, %swap3A_533] {strides = array<i32>} : memref<8x64xi32, #tpu.memory_space<vmem>>, vector<16xi32>,
    tpu.vector_store %arg10[%swap3A_532, %swap3A_533], %add3A_530 {strides = array<i32>} : memref<8x64xi32, #tpu.memory_space<vmem>>, vector<16xi32>,
    %get3A_535 = arith.constant 464 : index
    %get3A_536 = tpu.vector_load %arg7[%get3A_535] {strides = array<i32>} : memref<512xi32, #tpu.memory_space<vmem>>, vector<16xi32>,
    %mul3A_537 = arith.constant 14 : i32
    %mul3A_538 = vector.broadcast %mul3A_537 : i32 to vector<16xi32>
    %mul3A_539 = arith.muli %get3A_536, %mul3A_538 : vector<16xi32>
    %get3A_540 = arith.constant 464 : index
    %get3A_541 = tpu.vector_load %arg8[%get3A_540] {strides = array<i32>} : memref<512xi32, #tpu.memory_space<vmem>>, vector<16xi32>,
    %mul3A_542 = arith.constant 7 : i32
    %mul3A_543 = vector.broadcast %mul3A_542 : i32 to vector<16xi32>
    %mul3A_544 = arith.muli %get3A_541, %mul3A_543 : vector<16xi32>
    %add3A_545 = arith.addi %mul3A_539, %mul3A_544 : vector<16xi32>
    %get3A_546 = arith.constant 464 : index
    %get3A_547 = tpu.vector_load %arg9[%get3A_546] {strides = array<i32>} : memref<512xi32, #tpu.memory_space<vmem>>, vector<16xi32>,
    %add3A_548 = arith.addi %add3A_545, %get3A_547 : vector<16xi32>
    %swap3A_549 = arith.constant 7 : i32
    %swap3A_550 = arith.index_cast %swap3A_549 : i32 to index
    %swap3A_551 = arith.constant 16 : index
    %swap3A_552 = tpu.vector_load %arg10[%swap3A_550, %swap3A_551] {strides = array<i32>} : memref<8x64xi32, #tpu.memory_space<vmem>>, vector<16xi32>,
    tpu.vector_store %arg10[%swap3A_550, %swap3A_551], %add3A_548 {strides = array<i32>} : memref<8x64xi32, #tpu.memory_space<vmem>>, vector<16xi32>,
    %get3A_553 = arith.constant 480 : index
    %get3A_554 = tpu.vector_load %arg7[%get3A_553] {strides = array<i32>} : memref<512xi32, #tpu.memory_space<vmem>>, vector<16xi32>,
    %mul3A_555 = arith.constant 14 : i32
    %mul3A_556 = vector.broadcast %mul3A_555 : i32 to vector<16xi32>
    %mul3A_557 = arith.muli %get3A_554, %mul3A_556 : vector<16xi32>
    %get3A_558 = arith.constant 480 : index
    %get3A_559 = tpu.vector_load %arg8[%get3A_558] {strides = array<i32>} : memref<512xi32, #tpu.memory_space<vmem>>, vector<16xi32>,
    %mul3A_560 = arith.constant 7 : i32
    %mul3A_561 = vector.broadcast %mul3A_560 : i32 to vector<16xi32>
    %mul3A_562 = arith.muli %get3A_559, %mul3A_561 : vector<16xi32>
    %add3A_563 = arith.addi %mul3A_557, %mul3A_562 : vector<16xi32>
    %get3A_564 = arith.constant 480 : index
    %get3A_565 = tpu.vector_load %arg9[%get3A_564] {strides = array<i32>} : memref<512xi32, #tpu.memory_space<vmem>>, vector<16xi32>,
    %add3A_566 = arith.addi %add3A_563, %get3A_565 : vector<16xi32>
    %swap3A_567 = arith.constant 7 : i32
    %swap3A_568 = arith.index_cast %swap3A_567 : i32 to index
    %swap3A_569 = arith.constant 32 : index
    %swap3A_570 = tpu.vector_load %arg10[%swap3A_568, %swap3A_569] {strides = array<i32>} : memref<8x64xi32, #tpu.memory_space<vmem>>, vector<16xi32>,
    tpu.vector_store %arg10[%swap3A_568, %swap3A_569], %add3A_566 {strides = array<i32>} : memref<8x64xi32, #tpu.memory_space<vmem>>, vector<16xi32>,
    %get3A_571 = arith.constant 496 : index
    %get3A_572 = tpu.vector_load %arg7[%get3A_571] {strides = array<i32>} : memref<512xi32, #tpu.memory_space<vmem>>, vector<16xi32>,
    %mul3A_573 = arith.constant 14 : i32
    %mul3A_574 = vector.broadcast %mul3A_573 : i32 to vector<16xi32>
    %mul3A_575 = arith.muli %get3A_572, %mul3A_574 : vector<16xi32>
    %get3A_576 = arith.constant 496 : index
    %get3A_577 = tpu.vector_load %arg8[%get3A_576] {strides = array<i32>} : memref<512xi32, #tpu.memory_space<vmem>>, vector<16xi32>,
    %mul3A_578 = arith.constant 7 : i32
    %mul3A_579 = vector.broadcast %mul3A_578 : i32 to vector<16xi32>
    %mul3A_580 = arith.muli %get3A_577, %mul3A_579 : vector<16xi32>
    %add3A_581 = arith.addi %mul3A_575, %mul3A_580 : vector<16xi32>
    %get3A_582 = arith.constant 496 : index
    %get3A_583 = tpu.vector_load %arg9[%get3A_582] {strides = array<i32>} : memref<512xi32, #tpu.memory_space<vmem>>, vector<16xi32>,
    %add3A_584 = arith.addi %add3A_581, %get3A_583 : vector<16xi32>
    %swap3A_585 = arith.constant 7 : i32
    %swap3A_586 = arith.index_cast %swap3A_585 : i32 to index
    %swap3A_587 = arith.constant 48 : index
    %swap3A_588 = tpu.vector_load %arg10[%swap3A_586, %swap3A_587] {strides = array<i32>} : memref<8x64xi32, #tpu.memory_space<vmem>>, vector<16xi32>,
    tpu.vector_store %arg10[%swap3A_586, %swap3A_587], %add3A_584 {strides = array<i32>} : memref<8x64xi32, #tpu.memory_space<vmem>>, vector<16xi32>,
    %barrier3A = arith.constant 0 : index
    tpu.barrier barrier_id(%barrier3A)
    %dma_start3A_589 = arith.constant 0 : i32
    %dma_start3A_590 = arith.constant 0 : i32
    %dma_start3A_591 = arith.constant 0 : i32
    %dma_start3A_592 = arith.constant 0 : i32
    %dma_start3A_593 = tpu.memref_slice %arg11[%dma_start3A_591, %dma_start3A_592] : memref<512x128xf32, #tpu.memory_space<vmem>> -> memref<64x128xf32, #tpu.memory_space<vmem>>
    %dma_start3A_594 = arith.constant 0 : i32
    %dma_start3A_595 = tpu.memref_slice %arg10[%dma_start3A_589, %dma_start3A_594] : memref<8x64xi32, #tpu.memory_space<vmem>> -> memref<1x64xi32, #tpu.memory_space<vmem>>
    %dma_start3A_596 = tpu.memref_squeeze %dma_start3A_595 : memref<1x64xi32, #tpu.memory_space<vmem>> -> memref<64xi32, #tpu.memory_space<vmem>>
    %dma_start3A_597 = arith.constant 0 : i32
    %dma_start3A_598 = arith.constant 0 : i32
    %dma_start3A_599 = tpu.memref_slice %arg12[%dma_start3A_597, %dma_start3A_598] : memref<70x128xf32, #tpu.memory_space<vmem_shared>> -> memref<70x128xf32, #tpu.memory_space<vmem_shared>>
    %dma_start3A_600 = tpu.memref_slice %arg14[%dma_start3A_590] : memref<8x!tpu.dma_semaphore, #tpu.memory_space<semaphore_mem>> -> memref<1x!tpu.dma_semaphore, #tpu.memory_space<semaphore_mem>>
    %dma_start3A_601 = tpu.memref_squeeze %dma_start3A_600 : memref<1x!tpu.dma_semaphore, #tpu.memory_space<semaphore_mem>> -> memref<!tpu.dma_semaphore, #tpu.memory_space<semaphore_mem>>
    tpu.enqueue_indirect_dma source(%dma_start3A_599 : memref<70x128xf32, #tpu.memory_space<vmem_shared>>) target(%dma_start3A_593 : memref<64x128xf32, #tpu.memory_space<vmem>>) offsets(%dma_start3A_596 : memref<64xi32, #tpu.memory_space<vmem>>) semaphore(%dma_start3A_601 : memref<!tpu.dma_semaphore, #tpu.memory_space<semaphore_mem>>)
    %dma_start3A_602 = arith.constant 1 : i32
    %dma_start3A_603 = arith.constant 1 : i32
    %dma_start3A_604 = arith.constant 64 : i32
    %dma_start3A_605 = arith.constant 0 : i32
    %dma_start3A_606 = tpu.memref_slice %arg11[%dma_start3A_604, %dma_start3A_605] : memref<512x128xf32, #tpu.memory_space<vmem>> -> memref<64x128xf32, #tpu.memory_space<vmem>>
    %dma_start3A_607 = arith.constant 0 : i32
    %dma_start3A_608 = tpu.memref_slice %arg10[%dma_start3A_602, %dma_start3A_607] : memref<8x64xi32, #tpu.memory_space<vmem>> -> memref<1x64xi32, #tpu.memory_space<vmem>>
    %dma_start3A_609 = tpu.memref_squeeze %dma_start3A_608 : memref<1x64xi32, #tpu.memory_space<vmem>> -> memref<64xi32, #tpu.memory_space<vmem>>
    %dma_start3A_610 = arith.constant 0 : i32
    %dma_start3A_611 = arith.constant 0 : i32
    %dma_start3A_612 = tpu.memref_slice %arg12[%dma_start3A_610, %dma_start3A_611] : memref<70x128xf32, #tpu.memory_space<vmem_shared>> -> memref<70x128xf32, #tpu.memory_space<vmem_shared>>
    %dma_start3A_613 = tpu.memref_slice %arg14[%dma_start3A_603] : memref<8x!tpu.dma_semaphore, #tpu.memory_space<semaphore_mem>> -> memref<1x!tpu.dma_semaphore, #tpu.memory_space<semaphore_mem>>
    %dma_start3A_614 = tpu.memref_squeeze %dma_start3A_613 : memref<1x!tpu.dma_semaphore, #tpu.memory_space<semaphore_mem>> -> memref<!tpu.dma_semaphore, #tpu.memory_space<semaphore_mem>>
    tpu.enqueue_indirect_dma source(%dma_start3A_612 : memref<70x128xf32, #tpu.memory_space<vmem_shared>>) target(%dma_start3A_606 : memref<64x128xf32, #tpu.memory_space<vmem>>) offsets(%dma_start3A_609 : memref<64xi32, #tpu.memory_space<vmem>>) semaphore(%dma_start3A_614 : memref<!tpu.dma_semaphore, #tpu.memory_space<semaphore_mem>>)
    %dma_start3A_615 = arith.constant 2 : i32
    %dma_start3A_616 = arith.constant 2 : i32
    %dma_start3A_617 = arith.constant 128 : i32
    %dma_start3A_618 = arith.constant 0 : i32
    %dma_start3A_619 = tpu.memref_slice %arg11[%dma_start3A_617, %dma_start3A_618] : memref<512x128xf32, #tpu.memory_space<vmem>> -> memref<64x128xf32, #tpu.memory_space<vmem>>
    %dma_start3A_620 = arith.constant 0 : i32
    %dma_start3A_621 = tpu.memref_slice %arg10[%dma_start3A_615, %dma_start3A_620] : memref<8x64xi32, #tpu.memory_space<vmem>> -> memref<1x64xi32, #tpu.memory_space<vmem>>
    %dma_start3A_622 = tpu.memref_squeeze %dma_start3A_621 : memref<1x64xi32, #tpu.memory_space<vmem>> -> memref<64xi32, #tpu.memory_space<vmem>>
    %dma_start3A_623 = arith.constant 0 : i32
    %dma_start3A_624 = arith.constant 0 : i32
    %dma_start3A_625 = tpu.memref_slice %arg12[%dma_start3A_623, %dma_start3A_624] : memref<70x128xf32, #tpu.memory_space<vmem_shared>> -> memref<70x128xf32, #tpu.memory_space<vmem_shared>>
    %dma_start3A_626 = tpu.memref_slice %arg14[%dma_start3A_616] : memref<8x!tpu.dma_semaphore, #tpu.memory_space<semaphore_mem>> -> memref<1x!tpu.dma_semaphore, #tpu.memory_space<semaphore_mem>>
    %dma_start3A_627 = tpu.memref_squeeze %dma_start3A_626 : memref<1x!tpu.dma_semaphore, #tpu.memory_space<semaphore_mem>> -> memref<!tpu.dma_semaphore, #tpu.memory_space<semaphore_mem>>
    tpu.enqueue_indirect_dma source(%dma_start3A_625 : memref<70x128xf32, #tpu.memory_space<vmem_shared>>) target(%dma_start3A_619 : memref<64x128xf32, #tpu.memory_space<vmem>>) offsets(%dma_start3A_622 : memref<64xi32, #tpu.memory_space<vmem>>) semaphore(%dma_start3A_627 : memref<!tpu.dma_semaphore, #tpu.memory_space<semaphore_mem>>)
    %dma_start3A_628 = arith.constant 3 : i32
    %dma_start3A_629 = arith.constant 3 : i32
    %dma_start3A_630 = arith.constant 192 : i32
    %dma_start3A_631 = arith.constant 0 : i32
    %dma_start3A_632 = tpu.memref_slice %arg11[%dma_start3A_630, %dma_start3A_631] : memref<512x128xf32, #tpu.memory_space<vmem>> -> memref<64x128xf32, #tpu.memory_space<vmem>>
    %dma_start3A_633 = arith.constant 0 : i32
    %dma_start3A_634 = tpu.memref_slice %arg10[%dma_start3A_628, %dma_start3A_633] : memref<8x64xi32, #tpu.memory_space<vmem>> -> memref<1x64xi32, #tpu.memory_space<vmem>>
    %dma_start3A_635 = tpu.memref_squeeze %dma_start3A_634 : memref<1x64xi32, #tpu.memory_space<vmem>> -> memref<64xi32, #tpu.memory_space<vmem>>
    %dma_start3A_636 = arith.constant 0 : i32
    %dma_start3A_637 = arith.constant 0 : i32
    %dma_start3A_638 = tpu.memref_slice %arg12[%dma_start3A_636, %dma_start3A_637] : memref<70x128xf32, #tpu.memory_space<vmem_shared>> -> memref<70x128xf32, #tpu.memory_space<vmem_shared>>
    %dma_start3A_639 = tpu.memref_slice %arg14[%dma_start3A_629] : memref<8x!tpu.dma_semaphore, #tpu.memory_space<semaphore_mem>> -> memref<1x!tpu.dma_semaphore, #tpu.memory_space<semaphore_mem>>
    %dma_start3A_640 = tpu.memref_squeeze %dma_start3A_639 : memref<1x!tpu.dma_semaphore, #tpu.memory_space<semaphore_mem>> -> memref<!tpu.dma_semaphore, #tpu.memory_space<semaphore_mem>>
    tpu.enqueue_indirect_dma source(%dma_start3A_638 : memref<70x128xf32, #tpu.memory_space<vmem_shared>>) target(%dma_start3A_632 : memref<64x128xf32, #tpu.memory_space<vmem>>) offsets(%dma_start3A_635 : memref<64xi32, #tpu.memory_space<vmem>>) semaphore(%dma_start3A_640 : memref<!tpu.dma_semaphore, #tpu.memory_space<semaphore_mem>>)
    %dma_start3A_641 = arith.constant 4 : i32
    %dma_start3A_642 = arith.constant 4 : i32
    %dma_start3A_643 = arith.constant 256 : i32
    %dma_start3A_644 = arith.constant 0 : i32
    %dma_start3A_645 = tpu.memref_slice %arg11[%dma_start3A_643, %dma_start3A_644] : memref<512x128xf32, #tpu.memory_space<vmem>> -> memref<64x128xf32, #tpu.memory_space<vmem>>
    %dma_start3A_646 = arith.constant 0 : i32
    %dma_start3A_647 = tpu.memref_slice %arg10[%dma_start3A_641, %dma_start3A_646] : memref<8x64xi32, #tpu.memory_space<vmem>> -> memref<1x64xi32, #tpu.memory_space<vmem>>
    %dma_start3A_648 = tpu.memref_squeeze %dma_start3A_647 : memref<1x64xi32, #tpu.memory_space<vmem>> -> memref<64xi32, #tpu.memory_space<vmem>>
    %dma_start3A_649 = arith.constant 0 : i32
    %dma_start3A_650 = arith.constant 0 : i32
    %dma_start3A_651 = tpu.memref_slice %arg12[%dma_start3A_649, %dma_start3A_650] : memref<70x128xf32, #tpu.memory_space<vmem_shared>> -> memref<70x128xf32, #tpu.memory_space<vmem_shared>>
    %dma_start3A_652 = tpu.memref_slice %arg14[%dma_start3A_642] : memref<8x!tpu.dma_semaphore, #tpu.memory_space<semaphore_mem>> -> memref<1x!tpu.dma_semaphore, #tpu.memory_space<semaphore_mem>>
    %dma_start3A_653 = tpu.memref_squeeze %dma_start3A_652 : memref<1x!tpu.dma_semaphore, #tpu.memory_space<semaphore_mem>> -> memref<!tpu.dma_semaphore, #tpu.memory_space<semaphore_mem>>
    tpu.enqueue_indirect_dma source(%dma_start3A_651 : memref<70x128xf32, #tpu.memory_space<vmem_shared>>) target(%dma_start3A_645 : memref<64x128xf32, #tpu.memory_space<vmem>>) offsets(%dma_start3A_648 : memref<64xi32, #tpu.memory_space<vmem>>) semaphore(%dma_start3A_653 : memref<!tpu.dma_semaphore, #tpu.memory_space<semaphore_mem>>)
    %dma_start3A_654 = arith.constant 5 : i32
    %dma_start3A_655 = arith.constant 5 : i32
    %dma_start3A_656 = arith.constant 320 : i32
    %dma_start3A_657 = arith.constant 0 : i32
    %dma_start3A_658 = tpu.memref_slice %arg11[%dma_start3A_656, %dma_start3A_657] : memref<512x128xf32, #tpu.memory_space<vmem>> -> memref<64x128xf32, #tpu.memory_space<vmem>>
    %dma_start3A_659 = arith.constant 0 : i32
    %dma_start3A_660 = tpu.memref_slice %arg10[%dma_start3A_654, %dma_start3A_659] : memref<8x64xi32, #tpu.memory_space<vmem>> -> memref<1x64xi32, #tpu.memory_space<vmem>>
    %dma_start3A_661 = tpu.memref_squeeze %dma_start3A_660 : memref<1x64xi32, #tpu.memory_space<vmem>> -> memref<64xi32, #tpu.memory_space<vmem>>
    %dma_start3A_662 = arith.constant 0 : i32
    %dma_start3A_663 = arith.constant 0 : i32
    %dma_start3A_664 = tpu.memref_slice %arg12[%dma_start3A_662, %dma_start3A_663] : memref<70x128xf32, #tpu.memory_space<vmem_shared>> -> memref<70x128xf32, #tpu.memory_space<vmem_shared>>
    %dma_start3A_665 = tpu.memref_slice %arg14[%dma_start3A_655] : memref<8x!tpu.dma_semaphore, #tpu.memory_space<semaphore_mem>> -> memref<1x!tpu.dma_semaphore, #tpu.memory_space<semaphore_mem>>
    %dma_start3A_666 = tpu.memref_squeeze %dma_start3A_665 : memref<1x!tpu.dma_semaphore, #tpu.memory_space<semaphore_mem>> -> memref<!tpu.dma_semaphore, #tpu.memory_space<semaphore_mem>>
    tpu.enqueue_indirect_dma source(%dma_start3A_664 : memref<70x128xf32, #tpu.memory_space<vmem_shared>>) target(%dma_start3A_658 : memref<64x128xf32, #tpu.memory_space<vmem>>) offsets(%dma_start3A_661 : memref<64xi32, #tpu.memory_space<vmem>>) semaphore(%dma_start3A_666 : memref<!tpu.dma_semaphore, #tpu.memory_space<semaphore_mem>>)
    %dma_start3A_667 = arith.constant 6 : i32
    %dma_start3A_668 = arith.constant 6 : i32
    %dma_start3A_669 = arith.constant 384 : i32
    %dma_start3A_670 = arith.constant 0 : i32
    %dma_start3A_671 = tpu.memref_slice %arg11[%dma_start3A_669, %dma_start3A_670] : memref<512x128xf32, #tpu.memory_space<vmem>> -> memref<64x128xf32, #tpu.memory_space<vmem>>
    %dma_start3A_672 = arith.constant 0 : i32
    %dma_start3A_673 = tpu.memref_slice %arg10[%dma_start3A_667, %dma_start3A_672] : memref<8x64xi32, #tpu.memory_space<vmem>> -> memref<1x64xi32, #tpu.memory_space<vmem>>
    %dma_start3A_674 = tpu.memref_squeeze %dma_start3A_673 : memref<1x64xi32, #tpu.memory_space<vmem>> -> memref<64xi32, #tpu.memory_space<vmem>>
    %dma_start3A_675 = arith.constant 0 : i32
    %dma_start3A_676 = arith.constant 0 : i32
    %dma_start3A_677 = tpu.memref_slice %arg12[%dma_start3A_675, %dma_start3A_676] : memref<70x128xf32, #tpu.memory_space<vmem_shared>> -> memref<70x128xf32, #tpu.memory_space<vmem_shared>>
    %dma_start3A_678 = tpu.memref_slice %arg14[%dma_start3A_668] : memref<8x!tpu.dma_semaphore, #tpu.memory_space<semaphore_mem>> -> memref<1x!tpu.dma_semaphore, #tpu.memory_space<semaphore_mem>>
    %dma_start3A_679 = tpu.memref_squeeze %dma_start3A_678 : memref<1x!tpu.dma_semaphore, #tpu.memory_space<semaphore_mem>> -> memref<!tpu.dma_semaphore, #tpu.memory_space<semaphore_mem>>
    tpu.enqueue_indirect_dma source(%dma_start3A_677 : memref<70x128xf32, #tpu.memory_space<vmem_shared>>) target(%dma_start3A_671 : memref<64x128xf32, #tpu.memory_space<vmem>>) offsets(%dma_start3A_674 : memref<64xi32, #tpu.memory_space<vmem>>) semaphore(%dma_start3A_679 : memref<!tpu.dma_semaphore, #tpu.memory_space<semaphore_mem>>)
    %dma_start3A_680 = arith.constant 7 : i32
    %dma_start3A_681 = arith.constant 7 : i32
    %dma_start3A_682 = arith.constant 448 : i32
    %dma_start3A_683 = arith.constant 0 : i32
    %dma_start3A_684 = tpu.memref_slice %arg11[%dma_start3A_682, %dma_start3A_683] : memref<512x128xf32, #tpu.memory_space<vmem>> -> memref<64x128xf32, #tpu.memory_space<vmem>>
    %dma_start3A_685 = arith.constant 0 : i32
    %dma_start3A_686 = tpu.memref_slice %arg10[%dma_start3A_680, %dma_start3A_685] : memref<8x64xi32, #tpu.memory_space<vmem>> -> memref<1x64xi32, #tpu.memory_space<vmem>>
    %dma_start3A_687 = tpu.memref_squeeze %dma_start3A_686 : memref<1x64xi32, #tpu.memory_space<vmem>> -> memref<64xi32, #tpu.memory_space<vmem>>
    %dma_start3A_688 = arith.constant 0 : i32
    %dma_start3A_689 = arith.constant 0 : i32
    %dma_start3A_690 = tpu.memref_slice %arg12[%dma_start3A_688, %dma_start3A_689] : memref<70x128xf32, #tpu.memory_space<vmem_shared>> -> memref<70x128xf32, #tpu.memory_space<vmem_shared>>
    %dma_start3A_691 = tpu.memref_slice %arg14[%dma_start3A_681] : memref<8x!tpu.dma_semaphore, #tpu.memory_space<semaphore_mem>> -> memref<1x!tpu.dma_semaphore, #tpu.memory_space<semaphore_mem>>
    %dma_start3A_692 = tpu.memref_squeeze %dma_start3A_691 : memref<1x!tpu.dma_semaphore, #tpu.memory_space<semaphore_mem>> -> memref<!tpu.dma_semaphore, #tpu.memory_space<semaphore_mem>>
    tpu.enqueue_indirect_dma source(%dma_start3A_690 : memref<70x128xf32, #tpu.memory_space<vmem_shared>>) target(%dma_start3A_684 : memref<64x128xf32, #tpu.memory_space<vmem>>) offsets(%dma_start3A_687 : memref<64xi32, #tpu.memory_space<vmem>>) semaphore(%dma_start3A_692 : memref<!tpu.dma_semaphore, #tpu.memory_space<semaphore_mem>>)
    %dma_wait3A_693 = arith.constant 0 : i32
    %dma_wait3A_694 = arith.constant 0 : i32
    %dma_wait3A_695 = arith.constant 0 : i32
    %dma_wait3A_696 = arith.constant 0 : i32
    %dma_wait3A_697 = tpu.memref_slice %arg11[%dma_wait3A_695, %dma_wait3A_696] : memref<512x128xf32, #tpu.memory_space<vmem>> -> memref<64x128xf32, #tpu.memory_space<vmem>>
    %dma_wait3A_698 = arith.constant 0 : i32
    %dma_wait3A_699 = tpu.memref_slice %arg10[%dma_wait3A_693, %dma_wait3A_698] : memref<8x64xi32, #tpu.memory_space<vmem>> -> memref<1x64xi32, #tpu.memory_space<vmem>>
    %dma_wait3A_700 = tpu.memref_squeeze %dma_wait3A_699 : memref<1x64xi32, #tpu.memory_space<vmem>> -> memref<64xi32, #tpu.memory_space<vmem>>
    %dma_wait3A_701 = arith.constant 0 : i32
    %dma_wait3A_702 = arith.constant 0 : i32
    %dma_wait3A_703 = tpu.memref_slice %arg12[%dma_wait3A_701, %dma_wait3A_702] : memref<70x128xf32, #tpu.memory_space<vmem_shared>> -> memref<70x128xf32, #tpu.memory_space<vmem_shared>>
    %dma_wait3A_704 = tpu.memref_slice %arg14[%dma_wait3A_694] : memref<8x!tpu.dma_semaphore, #tpu.memory_space<semaphore_mem>> -> memref<1x!tpu.dma_semaphore, #tpu.memory_space<semaphore_mem>>
    %dma_wait3A_705 = tpu.memref_squeeze %dma_wait3A_704 : memref<1x!tpu.dma_semaphore, #tpu.memory_space<semaphore_mem>> -> memref<!tpu.dma_semaphore, #tpu.memory_space<semaphore_mem>>
    tpu.wait_indirect_dma semaphore(%dma_wait3A_705 : memref<!tpu.dma_semaphore, #tpu.memory_space<semaphore_mem>>) src(%dma_wait3A_703 : memref<70x128xf32, #tpu.memory_space<vmem_shared>>) dst(%dma_wait3A_697 : memref<64x128xf32, #tpu.memory_space<vmem>>)
    %add3A_706 = arith.constant 0 : i32
    %add3A_707 = arith.addi %mul3A_2, %add3A_706 : i32
    %dma_start3A_708 = arith.constant 0 : i32
    %dma_start3A_709 = arith.constant 0 : i32
    %dma_start3A_710 = tpu.memref_slice %arg11[%dma_start3A_708, %dma_start3A_709] : memref<512x128xf32, #tpu.memory_space<vmem>> -> memref<64x128xf32, #tpu.memory_space<vmem>>
    %dma_start3A_711 = arith.constant 0 : i32
    %dma_start3A_712 = tpu.memref_slice %arg6[%add3A_707, %dma_start3A_711] : memref<16384x128xf32, #tpu.memory_space<hbm>> -> memref<64x128xf32, #tpu.memory_space<hbm>>
    %dma_start3A_713 = arith.constant 0 : i32
    %dma_start3A_714 = tpu.memref_slice %arg6[%add3A_707, %dma_start3A_713] : memref<16384x128xf32, #tpu.memory_space<hbm>> -> memref<64x128xf32, #tpu.memory_space<hbm>>
    %dma_start3A_715 = arith.constant 0 : i32
    %dma_start3A_716 = arith.constant 0 : i32
    %dma_start3A_717 = tpu.memref_slice %arg11[%dma_start3A_715, %dma_start3A_716] : memref<512x128xf32, #tpu.memory_space<vmem>> -> memref<64x128xf32, #tpu.memory_space<vmem>>
    tpu.enqueue_dma source(%dma_start3A_717 : memref<64x128xf32, #tpu.memory_space<vmem>>) target(%dma_start3A_714 : memref<64x128xf32, #tpu.memory_space<hbm>>) target_semaphore(%arg15 : memref<!tpu.dma_semaphore, #tpu.memory_space<semaphore_mem>>)
    %dma_wait3A_718 = arith.constant 1 : i32
    %dma_wait3A_719 = arith.constant 1 : i32
    %dma_wait3A_720 = arith.constant 64 : i32
    %dma_wait3A_721 = arith.constant 0 : i32
    %dma_wait3A_722 = tpu.memref_slice %arg11[%dma_wait3A_720, %dma_wait3A_721] : memref<512x128xf32, #tpu.memory_space<vmem>> -> memref<64x128xf32, #tpu.memory_space<vmem>>
    %dma_wait3A_723 = arith.constant 0 : i32
    %dma_wait3A_724 = tpu.memref_slice %arg10[%dma_wait3A_718, %dma_wait3A_723] : memref<8x64xi32, #tpu.memory_space<vmem>> -> memref<1x64xi32, #tpu.memory_space<vmem>>
    %dma_wait3A_725 = tpu.memref_squeeze %dma_wait3A_724 : memref<1x64xi32, #tpu.memory_space<vmem>> -> memref<64xi32, #tpu.memory_space<vmem>>
    %dma_wait3A_726 = arith.constant 0 : i32
    %dma_wait3A_727 = arith.constant 0 : i32
    %dma_wait3A_728 = tpu.memref_slice %arg12[%dma_wait3A_726, %dma_wait3A_727] : memref<70x128xf32, #tpu.memory_space<vmem_shared>> -> memref<70x128xf32, #tpu.memory_space<vmem_shared>>
    %dma_wait3A_729 = tpu.memref_slice %arg14[%dma_wait3A_719] : memref<8x!tpu.dma_semaphore, #tpu.memory_space<semaphore_mem>> -> memref<1x!tpu.dma_semaphore, #tpu.memory_space<semaphore_mem>>
    %dma_wait3A_730 = tpu.memref_squeeze %dma_wait3A_729 : memref<1x!tpu.dma_semaphore, #tpu.memory_space<semaphore_mem>> -> memref<!tpu.dma_semaphore, #tpu.memory_space<semaphore_mem>>
    tpu.wait_indirect_dma semaphore(%dma_wait3A_730 : memref<!tpu.dma_semaphore, #tpu.memory_space<semaphore_mem>>) src(%dma_wait3A_728 : memref<70x128xf32, #tpu.memory_space<vmem_shared>>) dst(%dma_wait3A_722 : memref<64x128xf32, #tpu.memory_space<vmem>>)
    %add3A_731 = arith.constant 64 : i32
    %add3A_732 = arith.addi %mul3A_2, %add3A_731 : i32
    %dma_start3A_733 = arith.constant 64 : i32
    %dma_start3A_734 = arith.constant 0 : i32
    %dma_start3A_735 = tpu.memref_slice %arg11[%dma_start3A_733, %dma_start3A_734] : memref<512x128xf32, #tpu.memory_space<vmem>> -> memref<64x128xf32, #tpu.memory_space<vmem>>
    %dma_start3A_736 = arith.constant 0 : i32
    %dma_start3A_737 = tpu.memref_slice %arg6[%add3A_732, %dma_start3A_736] : memref<16384x128xf32, #tpu.memory_space<hbm>> -> memref<64x128xf32, #tpu.memory_space<hbm>>
    %dma_start3A_738 = arith.constant 0 : i32
    %dma_start3A_739 = tpu.memref_slice %arg6[%add3A_732, %dma_start3A_738] : memref<16384x128xf32, #tpu.memory_space<hbm>> -> memref<64x128xf32, #tpu.memory_space<hbm>>
    %dma_start3A_740 = arith.constant 64 : i32
    %dma_start3A_741 = arith.constant 0 : i32
    %dma_start3A_742 = tpu.memref_slice %arg11[%dma_start3A_740, %dma_start3A_741] : memref<512x128xf32, #tpu.memory_space<vmem>> -> memref<64x128xf32, #tpu.memory_space<vmem>>
    tpu.enqueue_dma source(%dma_start3A_742 : memref<64x128xf32, #tpu.memory_space<vmem>>) target(%dma_start3A_739 : memref<64x128xf32, #tpu.memory_space<hbm>>) target_semaphore(%arg15 : memref<!tpu.dma_semaphore, #tpu.memory_space<semaphore_mem>>)
    %dma_wait3A_743 = arith.constant 2 : i32
    %dma_wait3A_744 = arith.constant 2 : i32
    %dma_wait3A_745 = arith.constant 128 : i32
    %dma_wait3A_746 = arith.constant 0 : i32
    %dma_wait3A_747 = tpu.memref_slice %arg11[%dma_wait3A_745, %dma_wait3A_746] : memref<512x128xf32, #tpu.memory_space<vmem>> -> memref<64x128xf32, #tpu.memory_space<vmem>>
    %dma_wait3A_748 = arith.constant 0 : i32
    %dma_wait3A_749 = tpu.memref_slice %arg10[%dma_wait3A_743, %dma_wait3A_748] : memref<8x64xi32, #tpu.memory_space<vmem>> -> memref<1x64xi32, #tpu.memory_space<vmem>>
    %dma_wait3A_750 = tpu.memref_squeeze %dma_wait3A_749 : memref<1x64xi32, #tpu.memory_space<vmem>> -> memref<64xi32, #tpu.memory_space<vmem>>
    %dma_wait3A_751 = arith.constant 0 : i32
    %dma_wait3A_752 = arith.constant 0 : i32
    %dma_wait3A_753 = tpu.memref_slice %arg12[%dma_wait3A_751, %dma_wait3A_752] : memref<70x128xf32, #tpu.memory_space<vmem_shared>> -> memref<70x128xf32, #tpu.memory_space<vmem_shared>>
    %dma_wait3A_754 = tpu.memref_slice %arg14[%dma_wait3A_744] : memref<8x!tpu.dma_semaphore, #tpu.memory_space<semaphore_mem>> -> memref<1x!tpu.dma_semaphore, #tpu.memory_space<semaphore_mem>>
    %dma_wait3A_755 = tpu.memref_squeeze %dma_wait3A_754 : memref<1x!tpu.dma_semaphore, #tpu.memory_space<semaphore_mem>> -> memref<!tpu.dma_semaphore, #tpu.memory_space<semaphore_mem>>
    tpu.wait_indirect_dma semaphore(%dma_wait3A_755 : memref<!tpu.dma_semaphore, #tpu.memory_space<semaphore_mem>>) src(%dma_wait3A_753 : memref<70x128xf32, #tpu.memory_space<vmem_shared>>) dst(%dma_wait3A_747 : memref<64x128xf32, #tpu.memory_space<vmem>>)
    %add3A_756 = arith.constant 128 : i32
    %add3A_757 = arith.addi %mul3A_2, %add3A_756 : i32
    %dma_start3A_758 = arith.constant 128 : i32
    %dma_start3A_759 = arith.constant 0 : i32
    %dma_start3A_760 = tpu.memref_slice %arg11[%dma_start3A_758, %dma_start3A_759] : memref<512x128xf32, #tpu.memory_space<vmem>> -> memref<64x128xf32, #tpu.memory_space<vmem>>
    %dma_start3A_761 = arith.constant 0 : i32
    %dma_start3A_762 = tpu.memref_slice %arg6[%add3A_757, %dma_start3A_761] : memref<16384x128xf32, #tpu.memory_space<hbm>> -> memref<64x128xf32, #tpu.memory_space<hbm>>
    %dma_start3A_763 = arith.constant 0 : i32
    %dma_start3A_764 = tpu.memref_slice %arg6[%add3A_757, %dma_start3A_763] : memref<16384x128xf32, #tpu.memory_space<hbm>> -> memref<64x128xf32, #tpu.memory_space<hbm>>
    %dma_start3A_765 = arith.constant 128 : i32
    %dma_start3A_766 = arith.constant 0 : i32
    %dma_start3A_767 = tpu.memref_slice %arg11[%dma_start3A_765, %dma_start3A_766] : memref<512x128xf32, #tpu.memory_space<vmem>> -> memref<64x128xf32, #tpu.memory_space<vmem>>
    tpu.enqueue_dma source(%dma_start3A_767 : memref<64x128xf32, #tpu.memory_space<vmem>>) target(%dma_start3A_764 : memref<64x128xf32, #tpu.memory_space<hbm>>) target_semaphore(%arg15 : memref<!tpu.dma_semaphore, #tpu.memory_space<semaphore_mem>>)
    %dma_wait3A_768 = arith.constant 3 : i32
    %dma_wait3A_769 = arith.constant 3 : i32
    %dma_wait3A_770 = arith.constant 192 : i32
    %dma_wait3A_771 = arith.constant 0 : i32
    %dma_wait3A_772 = tpu.memref_slice %arg11[%dma_wait3A_770, %dma_wait3A_771] : memref<512x128xf32, #tpu.memory_space<vmem>> -> memref<64x128xf32, #tpu.memory_space<vmem>>
    %dma_wait3A_773 = arith.constant 0 : i32
    %dma_wait3A_774 = tpu.memref_slice %arg10[%dma_wait3A_768, %dma_wait3A_773] : memref<8x64xi32, #tpu.memory_space<vmem>> -> memref<1x64xi32, #tpu.memory_space<vmem>>
    %dma_wait3A_775 = tpu.memref_squeeze %dma_wait3A_774 : memref<1x64xi32, #tpu.memory_space<vmem>> -> memref<64xi32, #tpu.memory_space<vmem>>
    %dma_wait3A_776 = arith.constant 0 : i32
    %dma_wait3A_777 = arith.constant 0 : i32
    %dma_wait3A_778 = tpu.memref_slice %arg12[%dma_wait3A_776, %dma_wait3A_777] : memref<70x128xf32, #tpu.memory_space<vmem_shared>> -> memref<70x128xf32, #tpu.memory_space<vmem_shared>>
    %dma_wait3A_779 = tpu.memref_slice %arg14[%dma_wait3A_769] : memref<8x!tpu.dma_semaphore, #tpu.memory_space<semaphore_mem>> -> memref<1x!tpu.dma_semaphore, #tpu.memory_space<semaphore_mem>>
    %dma_wait3A_780 = tpu.memref_squeeze %dma_wait3A_779 : memref<1x!tpu.dma_semaphore, #tpu.memory_space<semaphore_mem>> -> memref<!tpu.dma_semaphore, #tpu.memory_space<semaphore_mem>>
    tpu.wait_indirect_dma semaphore(%dma_wait3A_780 : memref<!tpu.dma_semaphore, #tpu.memory_space<semaphore_mem>>) src(%dma_wait3A_778 : memref<70x128xf32, #tpu.memory_space<vmem_shared>>) dst(%dma_wait3A_772 : memref<64x128xf32, #tpu.memory_space<vmem>>)
    %add3A_781 = arith.constant 192 : i32
    %add3A_782 = arith.addi %mul3A_2, %add3A_781 : i32
    %dma_start3A_783 = arith.constant 192 : i32
    %dma_start3A_784 = arith.constant 0 : i32
    %dma_start3A_785 = tpu.memref_slice %arg11[%dma_start3A_783, %dma_start3A_784] : memref<512x128xf32, #tpu.memory_space<vmem>> -> memref<64x128xf32, #tpu.memory_space<vmem>>
    %dma_start3A_786 = arith.constant 0 : i32
    %dma_start3A_787 = tpu.memref_slice %arg6[%add3A_782, %dma_start3A_786] : memref<16384x128xf32, #tpu.memory_space<hbm>> -> memref<64x128xf32, #tpu.memory_space<hbm>>
    %dma_start3A_788 = arith.constant 0 : i32
    %dma_start3A_789 = tpu.memref_slice %arg6[%add3A_782, %dma_start3A_788] : memref<16384x128xf32, #tpu.memory_space<hbm>> -> memref<64x128xf32, #tpu.memory_space<hbm>>
    %dma_start3A_790 = arith.constant 192 : i32
    %dma_start3A_791 = arith.constant 0 : i32
    %dma_start3A_792 = tpu.memref_slice %arg11[%dma_start3A_790, %dma_start3A_791] : memref<512x128xf32, #tpu.memory_space<vmem>> -> memref<64x128xf32, #tpu.memory_space<vmem>>
    tpu.enqueue_dma source(%dma_start3A_792 : memref<64x128xf32, #tpu.memory_space<vmem>>) target(%dma_start3A_789 : memref<64x128xf32, #tpu.memory_space<hbm>>) target_semaphore(%arg15 : memref<!tpu.dma_semaphore, #tpu.memory_space<semaphore_mem>>)
    %dma_wait3A_793 = arith.constant 4 : i32
    %dma_wait3A_794 = arith.constant 4 : i32
    %dma_wait3A_795 = arith.constant 256 : i32
    %dma_wait3A_796 = arith.constant 0 : i32
    %dma_wait3A_797 = tpu.memref_slice %arg11[%dma_wait3A_795, %dma_wait3A_796] : memref<512x128xf32, #tpu.memory_space<vmem>> -> memref<64x128xf32, #tpu.memory_space<vmem>>
    %dma_wait3A_798 = arith.constant 0 : i32
    %dma_wait3A_799 = tpu.memref_slice %arg10[%dma_wait3A_793, %dma_wait3A_798] : memref<8x64xi32, #tpu.memory_space<vmem>> -> memref<1x64xi32, #tpu.memory_space<vmem>>
    %dma_wait3A_800 = tpu.memref_squeeze %dma_wait3A_799 : memref<1x64xi32, #tpu.memory_space<vmem>> -> memref<64xi32, #tpu.memory_space<vmem>>
    %dma_wait3A_801 = arith.constant 0 : i32
    %dma_wait3A_802 = arith.constant 0 : i32
    %dma_wait3A_803 = tpu.memref_slice %arg12[%dma_wait3A_801, %dma_wait3A_802] : memref<70x128xf32, #tpu.memory_space<vmem_shared>> -> memref<70x128xf32, #tpu.memory_space<vmem_shared>>
    %dma_wait3A_804 = tpu.memref_slice %arg14[%dma_wait3A_794] : memref<8x!tpu.dma_semaphore, #tpu.memory_space<semaphore_mem>> -> memref<1x!tpu.dma_semaphore, #tpu.memory_space<semaphore_mem>>
    %dma_wait3A_805 = tpu.memref_squeeze %dma_wait3A_804 : memref<1x!tpu.dma_semaphore, #tpu.memory_space<semaphore_mem>> -> memref<!tpu.dma_semaphore, #tpu.memory_space<semaphore_mem>>
    tpu.wait_indirect_dma semaphore(%dma_wait3A_805 : memref<!tpu.dma_semaphore, #tpu.memory_space<semaphore_mem>>) src(%dma_wait3A_803 : memref<70x128xf32, #tpu.memory_space<vmem_shared>>) dst(%dma_wait3A_797 : memref<64x128xf32, #tpu.memory_space<vmem>>)
    %add3A_806 = arith.constant 256 : i32
    %add3A_807 = arith.addi %mul3A_2, %add3A_806 : i32
    %dma_start3A_808 = arith.constant 256 : i32
    %dma_start3A_809 = arith.constant 0 : i32
    %dma_start3A_810 = tpu.memref_slice %arg11[%dma_start3A_808, %dma_start3A_809] : memref<512x128xf32, #tpu.memory_space<vmem>> -> memref<64x128xf32, #tpu.memory_space<vmem>>
    %dma_start3A_811 = arith.constant 0 : i32
    %dma_start3A_812 = tpu.memref_slice %arg6[%add3A_807, %dma_start3A_811] : memref<16384x128xf32, #tpu.memory_space<hbm>> -> memref<64x128xf32, #tpu.memory_space<hbm>>
    %dma_start3A_813 = arith.constant 0 : i32
    %dma_start3A_814 = tpu.memref_slice %arg6[%add3A_807, %dma_start3A_813] : memref<16384x128xf32, #tpu.memory_space<hbm>> -> memref<64x128xf32, #tpu.memory_space<hbm>>
    %dma_start3A_815 = arith.constant 256 : i32
    %dma_start3A_816 = arith.constant 0 : i32
    %dma_start3A_817 = tpu.memref_slice %arg11[%dma_start3A_815, %dma_start3A_816] : memref<512x128xf32, #tpu.memory_space<vmem>> -> memref<64x128xf32, #tpu.memory_space<vmem>>
    tpu.enqueue_dma source(%dma_start3A_817 : memref<64x128xf32, #tpu.memory_space<vmem>>) target(%dma_start3A_814 : memref<64x128xf32, #tpu.memory_space<hbm>>) target_semaphore(%arg15 : memref<!tpu.dma_semaphore, #tpu.memory_space<semaphore_mem>>)
    %dma_wait3A_818 = arith.constant 5 : i32
    %dma_wait3A_819 = arith.constant 5 : i32
    %dma_wait3A_820 = arith.constant 320 : i32
    %dma_wait3A_821 = arith.constant 0 : i32
    %dma_wait3A_822 = tpu.memref_slice %arg11[%dma_wait3A_820, %dma_wait3A_821] : memref<512x128xf32, #tpu.memory_space<vmem>> -> memref<64x128xf32, #tpu.memory_space<vmem>>
    %dma_wait3A_823 = arith.constant 0 : i32
    %dma_wait3A_824 = tpu.memref_slice %arg10[%dma_wait3A_818, %dma_wait3A_823] : memref<8x64xi32, #tpu.memory_space<vmem>> -> memref<1x64xi32, #tpu.memory_space<vmem>>
    %dma_wait3A_825 = tpu.memref_squeeze %dma_wait3A_824 : memref<1x64xi32, #tpu.memory_space<vmem>> -> memref<64xi32, #tpu.memory_space<vmem>>
    %dma_wait3A_826 = arith.constant 0 : i32
    %dma_wait3A_827 = arith.constant 0 : i32
    %dma_wait3A_828 = tpu.memref_slice %arg12[%dma_wait3A_826, %dma_wait3A_827] : memref<70x128xf32, #tpu.memory_space<vmem_shared>> -> memref<70x128xf32, #tpu.memory_space<vmem_shared>>
    %dma_wait3A_829 = tpu.memref_slice %arg14[%dma_wait3A_819] : memref<8x!tpu.dma_semaphore, #tpu.memory_space<semaphore_mem>> -> memref<1x!tpu.dma_semaphore, #tpu.memory_space<semaphore_mem>>
    %dma_wait3A_830 = tpu.memref_squeeze %dma_wait3A_829 : memref<1x!tpu.dma_semaphore, #tpu.memory_space<semaphore_mem>> -> memref<!tpu.dma_semaphore, #tpu.memory_space<semaphore_mem>>
    tpu.wait_indirect_dma semaphore(%dma_wait3A_830 : memref<!tpu.dma_semaphore, #tpu.memory_space<semaphore_mem>>) src(%dma_wait3A_828 : memref<70x128xf32, #tpu.memory_space<vmem_shared>>) dst(%dma_wait3A_822 : memref<64x128xf32, #tpu.memory_space<vmem>>)
    %add3A_831 = arith.constant 320 : i32
    %add3A_832 = arith.addi %mul3A_2, %add3A_831 : i32
    %dma_start3A_833 = arith.constant 320 : i32
    %dma_start3A_834 = arith.constant 0 : i32
    %dma_start3A_835 = tpu.memref_slice %arg11[%dma_start3A_833, %dma_start3A_834] : memref<512x128xf32, #tpu.memory_space<vmem>> -> memref<64x128xf32, #tpu.memory_space<vmem>>
    %dma_start3A_836 = arith.constant 0 : i32
    %dma_start3A_837 = tpu.memref_slice %arg6[%add3A_832, %dma_start3A_836] : memref<16384x128xf32, #tpu.memory_space<hbm>> -> memref<64x128xf32, #tpu.memory_space<hbm>>
    %dma_start3A_838 = arith.constant 0 : i32
    %dma_start3A_839 = tpu.memref_slice %arg6[%add3A_832, %dma_start3A_838] : memref<16384x128xf32, #tpu.memory_space<hbm>> -> memref<64x128xf32, #tpu.memory_space<hbm>>
    %dma_start3A_840 = arith.constant 320 : i32
    %dma_start3A_841 = arith.constant 0 : i32
    %dma_start3A_842 = tpu.memref_slice %arg11[%dma_start3A_840, %dma_start3A_841] : memref<512x128xf32, #tpu.memory_space<vmem>> -> memref<64x128xf32, #tpu.memory_space<vmem>>
    tpu.enqueue_dma source(%dma_start3A_842 : memref<64x128xf32, #tpu.memory_space<vmem>>) target(%dma_start3A_839 : memref<64x128xf32, #tpu.memory_space<hbm>>) target_semaphore(%arg15 : memref<!tpu.dma_semaphore, #tpu.memory_space<semaphore_mem>>)
    %dma_wait3A_843 = arith.constant 6 : i32
    %dma_wait3A_844 = arith.constant 6 : i32
    %dma_wait3A_845 = arith.constant 384 : i32
    %dma_wait3A_846 = arith.constant 0 : i32
    %dma_wait3A_847 = tpu.memref_slice %arg11[%dma_wait3A_845, %dma_wait3A_846] : memref<512x128xf32, #tpu.memory_space<vmem>> -> memref<64x128xf32, #tpu.memory_space<vmem>>
    %dma_wait3A_848 = arith.constant 0 : i32
    %dma_wait3A_849 = tpu.memref_slice %arg10[%dma_wait3A_843, %dma_wait3A_848] : memref<8x64xi32, #tpu.memory_space<vmem>> -> memref<1x64xi32, #tpu.memory_space<vmem>>
    %dma_wait3A_850 = tpu.memref_squeeze %dma_wait3A_849 : memref<1x64xi32, #tpu.memory_space<vmem>> -> memref<64xi32, #tpu.memory_space<vmem>>
    %dma_wait3A_851 = arith.constant 0 : i32
    %dma_wait3A_852 = arith.constant 0 : i32
    %dma_wait3A_853 = tpu.memref_slice %arg12[%dma_wait3A_851, %dma_wait3A_852] : memref<70x128xf32, #tpu.memory_space<vmem_shared>> -> memref<70x128xf32, #tpu.memory_space<vmem_shared>>
    %dma_wait3A_854 = tpu.memref_slice %arg14[%dma_wait3A_844] : memref<8x!tpu.dma_semaphore, #tpu.memory_space<semaphore_mem>> -> memref<1x!tpu.dma_semaphore, #tpu.memory_space<semaphore_mem>>
    %dma_wait3A_855 = tpu.memref_squeeze %dma_wait3A_854 : memref<1x!tpu.dma_semaphore, #tpu.memory_space<semaphore_mem>> -> memref<!tpu.dma_semaphore, #tpu.memory_space<semaphore_mem>>
    tpu.wait_indirect_dma semaphore(%dma_wait3A_855 : memref<!tpu.dma_semaphore, #tpu.memory_space<semaphore_mem>>) src(%dma_wait3A_853 : memref<70x128xf32, #tpu.memory_space<vmem_shared>>) dst(%dma_wait3A_847 : memref<64x128xf32, #tpu.memory_space<vmem>>)
    %add3A_856 = arith.constant 384 : i32
    %add3A_857 = arith.addi %mul3A_2, %add3A_856 : i32
    %dma_start3A_858 = arith.constant 384 : i32
    %dma_start3A_859 = arith.constant 0 : i32
    %dma_start3A_860 = tpu.memref_slice %arg11[%dma_start3A_858, %dma_start3A_859] : memref<512x128xf32, #tpu.memory_space<vmem>> -> memref<64x128xf32, #tpu.memory_space<vmem>>
    %dma_start3A_861 = arith.constant 0 : i32
    %dma_start3A_862 = tpu.memref_slice %arg6[%add3A_857, %dma_start3A_861] : memref<16384x128xf32, #tpu.memory_space<hbm>> -> memref<64x128xf32, #tpu.memory_space<hbm>>
    %dma_start3A_863 = arith.constant 0 : i32
    %dma_start3A_864 = tpu.memref_slice %arg6[%add3A_857, %dma_start3A_863] : memref<16384x128xf32, #tpu.memory_space<hbm>> -> memref<64x128xf32, #tpu.memory_space<hbm>>
    %dma_start3A_865 = arith.constant 384 : i32
    %dma_start3A_866 = arith.constant 0 : i32
    %dma_start3A_867 = tpu.memref_slice %arg11[%dma_start3A_865, %dma_start3A_866] : memref<512x128xf32, #tpu.memory_space<vmem>> -> memref<64x128xf32, #tpu.memory_space<vmem>>
    tpu.enqueue_dma source(%dma_start3A_867 : memref<64x128xf32, #tpu.memory_space<vmem>>) target(%dma_start3A_864 : memref<64x128xf32, #tpu.memory_space<hbm>>) target_semaphore(%arg15 : memref<!tpu.dma_semaphore, #tpu.memory_space<semaphore_mem>>)
    %dma_wait3A_868 = arith.constant 7 : i32
    %dma_wait3A_869 = arith.constant 7 : i32
    %dma_wait3A_870 = arith.constant 448 : i32
    %dma_wait3A_871 = arith.constant 0 : i32
    %dma_wait3A_872 = tpu.memref_slice %arg11[%dma_wait3A_870, %dma_wait3A_871] : memref<512x128xf32, #tpu.memory_space<vmem>> -> memref<64x128xf32, #tpu.memory_space<vmem>>
    %dma_wait3A_873 = arith.constant 0 : i32
    %dma_wait3A_874 = tpu.memref_slice %arg10[%dma_wait3A_868, %dma_wait3A_873] : memref<8x64xi32, #tpu.memory_space<vmem>> -> memref<1x64xi32, #tpu.memory_space<vmem>>
    %dma_wait3A_875 = tpu.memref_squeeze %dma_wait3A_874 : memref<1x64xi32, #tpu.memory_space<vmem>> -> memref<64xi32, #tpu.memory_space<vmem>>
    %dma_wait3A_876 = arith.constant 0 : i32
    %dma_wait3A_877 = arith.constant 0 : i32
    %dma_wait3A_878 = tpu.memref_slice %arg12[%dma_wait3A_876, %dma_wait3A_877] : memref<70x128xf32, #tpu.memory_space<vmem_shared>> -> memref<70x128xf32, #tpu.memory_space<vmem_shared>>
    %dma_wait3A_879 = tpu.memref_slice %arg14[%dma_wait3A_869] : memref<8x!tpu.dma_semaphore, #tpu.memory_space<semaphore_mem>> -> memref<1x!tpu.dma_semaphore, #tpu.memory_space<semaphore_mem>>
    %dma_wait3A_880 = tpu.memref_squeeze %dma_wait3A_879 : memref<1x!tpu.dma_semaphore, #tpu.memory_space<semaphore_mem>> -> memref<!tpu.dma_semaphore, #tpu.memory_space<semaphore_mem>>
    tpu.wait_indirect_dma semaphore(%dma_wait3A_880 : memref<!tpu.dma_semaphore, #tpu.memory_space<semaphore_mem>>) src(%dma_wait3A_878 : memref<70x128xf32, #tpu.memory_space<vmem_shared>>) dst(%dma_wait3A_872 : memref<64x128xf32, #tpu.memory_space<vmem>>)
    %add3A_881 = arith.constant 448 : i32
    %add3A_882 = arith.addi %mul3A_2, %add3A_881 : i32
    %dma_start3A_883 = arith.constant 448 : i32
    %dma_start3A_884 = arith.constant 0 : i32
    %dma_start3A_885 = tpu.memref_slice %arg11[%dma_start3A_883, %dma_start3A_884] : memref<512x128xf32, #tpu.memory_space<vmem>> -> memref<64x128xf32, #tpu.memory_space<vmem>>
    %dma_start3A_886 = arith.constant 0 : i32
    %dma_start3A_887 = tpu.memref_slice %arg6[%add3A_882, %dma_start3A_886] : memref<16384x128xf32, #tpu.memory_space<hbm>> -> memref<64x128xf32, #tpu.memory_space<hbm>>
    %dma_start3A_888 = arith.constant 0 : i32
    %dma_start3A_889 = tpu.memref_slice %arg6[%add3A_882, %dma_start3A_888] : memref<16384x128xf32, #tpu.memory_space<hbm>> -> memref<64x128xf32, #tpu.memory_space<hbm>>
    %dma_start3A_890 = arith.constant 448 : i32
    %dma_start3A_891 = arith.constant 0 : i32
    %dma_start3A_892 = tpu.memref_slice %arg11[%dma_start3A_890, %dma_start3A_891] : memref<512x128xf32, #tpu.memory_space<vmem>> -> memref<64x128xf32, #tpu.memory_space<vmem>>
    tpu.enqueue_dma source(%dma_start3A_892 : memref<64x128xf32, #tpu.memory_space<vmem>>) target(%dma_start3A_889 : memref<64x128xf32, #tpu.memory_space<hbm>>) target_semaphore(%arg15 : memref<!tpu.dma_semaphore, #tpu.memory_space<semaphore_mem>>)
    %dma_wait3A_893 = arith.constant 0 : i32
    %dma_wait3A_894 = arith.constant 0 : i32
    %dma_wait3A_895 = tpu.memref_slice %arg11[%dma_wait3A_893, %dma_wait3A_894] : memref<512x128xf32, #tpu.memory_space<vmem>> -> memref<64x128xf32, #tpu.memory_space<vmem>>
    %dma_wait3A_896 = arith.constant 0 : i32
    %dma_wait3A_897 = tpu.memref_slice %arg6[%add3A_707, %dma_wait3A_896] : memref<16384x128xf32, #tpu.memory_space<hbm>> -> memref<64x128xf32, #tpu.memory_space<hbm>>
    %dma_wait3A_898 = arith.constant 0 : i32
    %dma_wait3A_899 = tpu.memref_slice %arg6[%add3A_707, %dma_wait3A_898] : memref<16384x128xf32, #tpu.memory_space<hbm>> -> memref<64x128xf32, #tpu.memory_space<hbm>>
    %dma_wait3A_900 = arith.constant 0 : i32
    %dma_wait3A_901 = arith.constant 0 : i32
    %dma_wait3A_902 = tpu.memref_slice %arg11[%dma_wait3A_900, %dma_wait3A_901] : memref<512x128xf32, #tpu.memory_space<vmem>> -> memref<64x128xf32, #tpu.memory_space<vmem>>
    tpu.wait_dma2 semaphore(%arg15 : memref<!tpu.dma_semaphore, #tpu.memory_space<semaphore_mem>>) src(%dma_wait3A_902 : memref<64x128xf32, #tpu.memory_space<vmem>>) dst(%dma_wait3A_899 : memref<64x128xf32, #tpu.memory_space<hbm>>)
    %dma_wait3A_903 = arith.constant 64 : i32
    %dma_wait3A_904 = arith.constant 0 : i32
    %dma_wait3A_905 = tpu.memref_slice %arg11[%dma_wait3A_903, %dma_wait3A_904] : memref<512x128xf32, #tpu.memory_space<vmem>> -> memref<64x128xf32, #tpu.memory_space<vmem>>
    %dma_wait3A_906 = arith.constant 0 : i32
    %dma_wait3A_907 = tpu.memref_slice %arg6[%add3A_732, %dma_wait3A_906] : memref<16384x128xf32, #tpu.memory_space<hbm>> -> memref<64x128xf32, #tpu.memory_space<hbm>>
    %dma_wait3A_908 = arith.constant 0 : i32
    %dma_wait3A_909 = tpu.memref_slice %arg6[%add3A_732, %dma_wait3A_908] : memref<16384x128xf32, #tpu.memory_space<hbm>> -> memref<64x128xf32, #tpu.memory_space<hbm>>
    %dma_wait3A_910 = arith.constant 64 : i32
    %dma_wait3A_911 = arith.constant 0 : i32
    %dma_wait3A_912 = tpu.memref_slice %arg11[%dma_wait3A_910, %dma_wait3A_911] : memref<512x128xf32, #tpu.memory_space<vmem>> -> memref<64x128xf32, #tpu.memory_space<vmem>>
    tpu.wait_dma2 semaphore(%arg15 : memref<!tpu.dma_semaphore, #tpu.memory_space<semaphore_mem>>) src(%dma_wait3A_912 : memref<64x128xf32, #tpu.memory_space<vmem>>) dst(%dma_wait3A_909 : memref<64x128xf32, #tpu.memory_space<hbm>>)
    %dma_wait3A_913 = arith.constant 128 : i32
    %dma_wait3A_914 = arith.constant 0 : i32
    %dma_wait3A_915 = tpu.memref_slice %arg11[%dma_wait3A_913, %dma_wait3A_914] : memref<512x128xf32, #tpu.memory_space<vmem>> -> memref<64x128xf32, #tpu.memory_space<vmem>>
    %dma_wait3A_916 = arith.constant 0 : i32
    %dma_wait3A_917 = tpu.memref_slice %arg6[%add3A_757, %dma_wait3A_916] : memref<16384x128xf32, #tpu.memory_space<hbm>> -> memref<64x128xf32, #tpu.memory_space<hbm>>
    %dma_wait3A_918 = arith.constant 0 : i32
    %dma_wait3A_919 = tpu.memref_slice %arg6[%add3A_757, %dma_wait3A_918] : memref<16384x128xf32, #tpu.memory_space<hbm>> -> memref<64x128xf32, #tpu.memory_space<hbm>>
    %dma_wait3A_920 = arith.constant 128 : i32
    %dma_wait3A_921 = arith.constant 0 : i32
    %dma_wait3A_922 = tpu.memref_slice %arg11[%dma_wait3A_920, %dma_wait3A_921] : memref<512x128xf32, #tpu.memory_space<vmem>> -> memref<64x128xf32, #tpu.memory_space<vmem>>
    tpu.wait_dma2 semaphore(%arg15 : memref<!tpu.dma_semaphore, #tpu.memory_space<semaphore_mem>>) src(%dma_wait3A_922 : memref<64x128xf32, #tpu.memory_space<vmem>>) dst(%dma_wait3A_919 : memref<64x128xf32, #tpu.memory_space<hbm>>)
    %dma_wait3A_923 = arith.constant 192 : i32
    %dma_wait3A_924 = arith.constant 0 : i32
    %dma_wait3A_925 = tpu.memref_slice %arg11[%dma_wait3A_923, %dma_wait3A_924] : memref<512x128xf32, #tpu.memory_space<vmem>> -> memref<64x128xf32, #tpu.memory_space<vmem>>
    %dma_wait3A_926 = arith.constant 0 : i32
    %dma_wait3A_927 = tpu.memref_slice %arg6[%add3A_782, %dma_wait3A_926] : memref<16384x128xf32, #tpu.memory_space<hbm>> -> memref<64x128xf32, #tpu.memory_space<hbm>>
    %dma_wait3A_928 = arith.constant 0 : i32
    %dma_wait3A_929 = tpu.memref_slice %arg6[%add3A_782, %dma_wait3A_928] : memref<16384x128xf32, #tpu.memory_space<hbm>> -> memref<64x128xf32, #tpu.memory_space<hbm>>
    %dma_wait3A_930 = arith.constant 192 : i32
    %dma_wait3A_931 = arith.constant 0 : i32
    %dma_wait3A_932 = tpu.memref_slice %arg11[%dma_wait3A_930, %dma_wait3A_931] : memref<512x128xf32, #tpu.memory_space<vmem>> -> memref<64x128xf32, #tpu.memory_space<vmem>>
    tpu.wait_dma2 semaphore(%arg15 : memref<!tpu.dma_semaphore, #tpu.memory_space<semaphore_mem>>) src(%dma_wait3A_932 : memref<64x128xf32, #tpu.memory_space<vmem>>) dst(%dma_wait3A_929 : memref<64x128xf32, #tpu.memory_space<hbm>>)
    %dma_wait3A_933 = arith.constant 256 : i32
    %dma_wait3A_934 = arith.constant 0 : i32
    %dma_wait3A_935 = tpu.memref_slice %arg11[%dma_wait3A_933, %dma_wait3A_934] : memref<512x128xf32, #tpu.memory_space<vmem>> -> memref<64x128xf32, #tpu.memory_space<vmem>>
    %dma_wait3A_936 = arith.constant 0 : i32
    %dma_wait3A_937 = tpu.memref_slice %arg6[%add3A_807, %dma_wait3A_936] : memref<16384x128xf32, #tpu.memory_space<hbm>> -> memref<64x128xf32, #tpu.memory_space<hbm>>
    %dma_wait3A_938 = arith.constant 0 : i32
    %dma_wait3A_939 = tpu.memref_slice %arg6[%add3A_807, %dma_wait3A_938] : memref<16384x128xf32, #tpu.memory_space<hbm>> -> memref<64x128xf32, #tpu.memory_space<hbm>>
    %dma_wait3A_940 = arith.constant 256 : i32
    %dma_wait3A_941 = arith.constant 0 : i32
    %dma_wait3A_942 = tpu.memref_slice %arg11[%dma_wait3A_940, %dma_wait3A_941] : memref<512x128xf32, #tpu.memory_space<vmem>> -> memref<64x128xf32, #tpu.memory_space<vmem>>
    tpu.wait_dma2 semaphore(%arg15 : memref<!tpu.dma_semaphore, #tpu.memory_space<semaphore_mem>>) src(%dma_wait3A_942 : memref<64x128xf32, #tpu.memory_space<vmem>>) dst(%dma_wait3A_939 : memref<64x128xf32, #tpu.memory_space<hbm>>)
    %dma_wait3A_943 = arith.constant 320 : i32
    %dma_wait3A_944 = arith.constant 0 : i32
    %dma_wait3A_945 = tpu.memref_slice %arg11[%dma_wait3A_943, %dma_wait3A_944] : memref<512x128xf32, #tpu.memory_space<vmem>> -> memref<64x128xf32, #tpu.memory_space<vmem>>
    %dma_wait3A_946 = arith.constant 0 : i32
    %dma_wait3A_947 = tpu.memref_slice %arg6[%add3A_832, %dma_wait3A_946] : memref<16384x128xf32, #tpu.memory_space<hbm>> -> memref<64x128xf32, #tpu.memory_space<hbm>>
    %dma_wait3A_948 = arith.constant 0 : i32
    %dma_wait3A_949 = tpu.memref_slice %arg6[%add3A_832, %dma_wait3A_948] : memref<16384x128xf32, #tpu.memory_space<hbm>> -> memref<64x128xf32, #tpu.memory_space<hbm>>
    %dma_wait3A_950 = arith.constant 320 : i32
    %dma_wait3A_951 = arith.constant 0 : i32
    %dma_wait3A_952 = tpu.memref_slice %arg11[%dma_wait3A_950, %dma_wait3A_951] : memref<512x128xf32, #tpu.memory_space<vmem>> -> memref<64x128xf32, #tpu.memory_space<vmem>>
    tpu.wait_dma2 semaphore(%arg15 : memref<!tpu.dma_semaphore, #tpu.memory_space<semaphore_mem>>) src(%dma_wait3A_952 : memref<64x128xf32, #tpu.memory_space<vmem>>) dst(%dma_wait3A_949 : memref<64x128xf32, #tpu.memory_space<hbm>>)
    %dma_wait3A_953 = arith.constant 384 : i32
    %dma_wait3A_954 = arith.constant 0 : i32
    %dma_wait3A_955 = tpu.memref_slice %arg11[%dma_wait3A_953, %dma_wait3A_954] : memref<512x128xf32, #tpu.memory_space<vmem>> -> memref<64x128xf32, #tpu.memory_space<vmem>>
    %dma_wait3A_956 = arith.constant 0 : i32
    %dma_wait3A_957 = tpu.memref_slice %arg6[%add3A_857, %dma_wait3A_956] : memref<16384x128xf32, #tpu.memory_space<hbm>> -> memref<64x128xf32, #tpu.memory_space<hbm>>
    %dma_wait3A_958 = arith.constant 0 : i32
    %dma_wait3A_959 = tpu.memref_slice %arg6[%add3A_857, %dma_wait3A_958] : memref<16384x128xf32, #tpu.memory_space<hbm>> -> memref<64x128xf32, #tpu.memory_space<hbm>>
    %dma_wait3A_960 = arith.constant 384 : i32
    %dma_wait3A_961 = arith.constant 0 : i32
    %dma_wait3A_962 = tpu.memref_slice %arg11[%dma_wait3A_960, %dma_wait3A_961] : memref<512x128xf32, #tpu.memory_space<vmem>> -> memref<64x128xf32, #tpu.memory_space<vmem>>
    tpu.wait_dma2 semaphore(%arg15 : memref<!tpu.dma_semaphore, #tpu.memory_space<semaphore_mem>>) src(%dma_wait3A_962 : memref<64x128xf32, #tpu.memory_space<vmem>>) dst(%dma_wait3A_959 : memref<64x128xf32, #tpu.memory_space<hbm>>)
    %dma_wait3A_963 = arith.constant 448 : i32
    %dma_wait3A_964 = arith.constant 0 : i32
    %dma_wait3A_965 = tpu.memref_slice %arg11[%dma_wait3A_963, %dma_wait3A_964] : memref<512x128xf32, #tpu.memory_space<vmem>> -> memref<64x128xf32, #tpu.memory_space<vmem>>
    %dma_wait3A_966 = arith.constant 0 : i32
    %dma_wait3A_967 = tpu.memref_slice %arg6[%add3A_882, %dma_wait3A_966] : memref<16384x128xf32, #tpu.memory_space<hbm>> -> memref<64x128xf32, #tpu.memory_space<hbm>>
    %dma_wait3A_968 = arith.constant 0 : i32
    %dma_wait3A_969 = tpu.memref_slice %arg6[%add3A_882, %dma_wait3A_968] : memref<16384x128xf32, #tpu.memory_space<hbm>> -> memref<64x128xf32, #tpu.memory_space<hbm>>
    %dma_wait3A_970 = arith.constant 448 : i32
    %dma_wait3A_971 = arith.constant 0 : i32
    %dma_wait3A_972 = tpu.memref_slice %arg11[%dma_wait3A_970, %dma_wait3A_971] : memref<512x128xf32, #tpu.memory_space<vmem>> -> memref<64x128xf32, #tpu.memory_space<vmem>>
    tpu.wait_dma2 semaphore(%arg15 : memref<!tpu.dma_semaphore, #tpu.memory_space<semaphore_mem>>) src(%dma_wait3A_972 : memref<64x128xf32, #tpu.memory_space<vmem>>) dst(%dma_wait3A_969 : memref<64x128xf32, #tpu.memory_space<hbm>>)
    return
  }
}

module attributes {stable_mosaic.version = 14 : i64} {
  func.func @_lut_body(%arg0: memref<5x64xf32, #tpu.memory_space<vmem>>, %arg1: memref<2x64xf32, #tpu.memory_space<vmem>>, %arg2: memref<7x64xf32, #tpu.memory_space<vmem>>, %arg3: memref<128x192xf32, #tpu.memory_space<vmem>>, %arg4: memref<1x128xf32, #tpu.memory_space<vmem>>, %arg5: memref<70x128xf32, #tpu.memory_space<vmem>>) attributes {dimension_semantics = [], scalar_prefetch = 0 : i64, scratch_operands = 0 : i64, tpu.core_type = #tpu.core_type<tc>} {
    %get3A = arith.constant 0 : index
    %get3A_0 = arith.constant 0 : index
    %get3A_1 = vector.load %arg3[%get3A, %get3A_0] : memref<128x192xf32, #tpu.memory_space<vmem>>, vector<128x192xf32>
    %mul3A = arith.constant 0.0721687824 : f32
    %mul3A_2 = vector.broadcast %mul3A : f32 to vector<128x192xf32>
    %mul3A_3 = arith.mulf %get3A_1, %mul3A_2 : vector<128x192xf32>
    %get3A_4 = arith.constant 0 : index
    %get3A_5 = arith.constant 0 : index
    %get3A_6 = vector.load %arg0[%get3A_4, %get3A_5] : memref<5x64xf32, #tpu.memory_space<vmem>>, vector<5x64xf32>
    %slice3A = vector.extract_strided_slice %mul3A_3 {offsets = [0, 0], sizes = [128, 64], strides = [1, 1]} : vector<128x192xf32> to vector<128x64xf32>
    %dot_general3A = arith.constant dense<0.000000e+00> : vector<5x128xf32>
    %dot_general3A_7 = tpu.matmul %get3A_6, %slice3A, %dot_general3A {dimension_numbers = #tpu.dot_dimension_numbers<[1], [1], [0], [0], [0, 0, 1, 0], [], []>, precision = #tpu.contract_precision<fp32>, transpose_lhs_hint = false} : vector<5x64xf32>, vector<128x64xf32>, vector<5x128xf32> -> vector<5x128xf32>
    %get3A_8 = arith.constant 0 : index
    %get3A_9 = arith.constant 0 : index
    %get3A_10 = vector.load %arg1[%get3A_8, %get3A_9] : memref<2x64xf32, #tpu.memory_space<vmem>>, vector<2x64xf32>
    %slice3A_11 = vector.extract_strided_slice %mul3A_3 {offsets = [0, 64], sizes = [128, 64], strides = [1, 1]} : vector<128x192xf32> to vector<128x64xf32>
    %dot_general3A_12 = arith.constant dense<0.000000e+00> : vector<2x128xf32>
    %dot_general3A_13 = tpu.matmul %get3A_10, %slice3A_11, %dot_general3A_12 {dimension_numbers = #tpu.dot_dimension_numbers<[1], [1], [0], [0], [0, 0, 1, 0], [], []>, precision = #tpu.contract_precision<fp32>, transpose_lhs_hint = false} : vector<2x64xf32>, vector<128x64xf32>, vector<2x128xf32> -> vector<2x128xf32>
    %get3A_14 = arith.constant 0 : index
    %get3A_15 = arith.constant 0 : index
    %get3A_16 = vector.load %arg2[%get3A_14, %get3A_15] : memref<7x64xf32, #tpu.memory_space<vmem>>, vector<7x64xf32>
    %slice3A_17 = vector.extract_strided_slice %mul3A_3 {offsets = [0, 128], sizes = [128, 64], strides = [1, 1]} : vector<128x192xf32> to vector<128x64xf32>
    %dot_general3A_18 = arith.constant dense<0.000000e+00> : vector<7x128xf32>
    %dot_general3A_19 = tpu.matmul %get3A_16, %slice3A_17, %dot_general3A_18 {dimension_numbers = #tpu.dot_dimension_numbers<[1], [1], [0], [0], [0, 0, 1, 0], [], []>, precision = #tpu.contract_precision<fp32>, transpose_lhs_hint = false} : vector<7x64xf32>, vector<128x64xf32>, vector<7x128xf32> -> vector<7x128xf32>
    %iota3A = tpu.iota {dimensions = array<i32: 0>} : vector<70x5xi32>
    %iota3A_20 = tpu.iota {dimensions = array<i32: 0>} : vector<70x2xi32>
    %iota3A_21 = tpu.iota {dimensions = array<i32: 0>} : vector<70x7xi32>
    %jit3A = arith.constant 14 : i32
    %div3A = vector.broadcast %jit3A : i32 to vector<70x5xi32>
    %div3A_22 = arith.divsi %iota3A, %div3A : vector<70x5xi32>
    %sign3A = arith.constant 0 : i32
    %sign3A_23 = vector.broadcast %sign3A : i32 to vector<70x5xi32>
    %sign3A_24 = arith.cmpi sgt, %iota3A, %sign3A_23 : vector<70x5xi32>
    %sign3A_25 = arith.extui %sign3A_24 : vector<70x5xi1> to vector<70x5xi32>
    %sign3A_26 = arith.constant 0 : i32
    %sign3A_27 = vector.broadcast %sign3A_26 : i32 to vector<70x5xi32>
    %sign3A_28 = arith.cmpi slt, %iota3A, %sign3A_27 : vector<70x5xi32>
    %sign3A_29 = arith.extui %sign3A_28 : vector<70x5xi1> to vector<70x5xi32>
    %sign3A_30 = arith.subi %sign3A_25, %sign3A_29 : vector<70x5xi32>
    %sign3A_31 = arith.constant 0 : i32
    %sign3A_32 = arith.cmpi sgt, %jit3A, %sign3A_31 : i32
    %sign3A_33 = arith.extui %sign3A_32 : i1 to i32
    %sign3A_34 = arith.constant 0 : i32
    %sign3A_35 = arith.cmpi slt, %jit3A, %sign3A_34 : i32
    %sign3A_36 = arith.extui %sign3A_35 : i1 to i32
    %sign3A_37 = arith.subi %sign3A_33, %sign3A_36 : i32
    %ne3A = vector.broadcast %sign3A_37 : i32 to vector<70x5xi32>
    %ne3A_38 = arith.cmpi ne, %sign3A_30, %ne3A : vector<70x5xi32>
    %rem3A = vector.broadcast %jit3A : i32 to vector<70x5xi32>
    %rem3A_39 = arith.remsi %iota3A, %rem3A : vector<70x5xi32>
    %ne3A_40 = arith.constant 0 : i32
    %ne3A_41 = vector.broadcast %ne3A_40 : i32 to vector<70x5xi32>
    %ne3A_42 = arith.cmpi ne, %rem3A_39, %ne3A_41 : vector<70x5xi32>
    %and3A = arith.andi %ne3A_38, %ne3A_42 : vector<70x5xi1>
    %sub3A = arith.constant 1 : i32
    %sub3A_43 = vector.broadcast %sub3A : i32 to vector<70x5xi32>
    %sub3A_44 = arith.subi %div3A_22, %sub3A_43 : vector<70x5xi32>
    %select_n3A = arith.select %and3A, %sub3A_44, %div3A_22 : vector<70x5xi1>, vector<70x5xi32>
    %iota3A_45 = tpu.iota {dimensions = array<i32: 1>} : vector<70x5xi32>
    %eq3A = arith.cmpi eq, %iota3A_45, %select_n3A : vector<70x5xi32>
    %convert_element_type3A = arith.extui %eq3A : vector<70x5xi1> to vector<70x5xi32>
    %convert_element_type3A_46 = arith.sitofp %convert_element_type3A : vector<70x5xi32> to vector<70x5xf32>
    %jit3A_47 = arith.constant 7 : i32
    %div3A_48 = vector.broadcast %jit3A_47 : i32 to vector<70x2xi32>
    %div3A_49 = arith.divsi %iota3A_20, %div3A_48 : vector<70x2xi32>
    %sign3A_50 = arith.constant 0 : i32
    %sign3A_51 = vector.broadcast %sign3A_50 : i32 to vector<70x2xi32>
    %sign3A_52 = arith.cmpi sgt, %iota3A_20, %sign3A_51 : vector<70x2xi32>
    %sign3A_53 = arith.extui %sign3A_52 : vector<70x2xi1> to vector<70x2xi32>
    %sign3A_54 = arith.constant 0 : i32
    %sign3A_55 = vector.broadcast %sign3A_54 : i32 to vector<70x2xi32>
    %sign3A_56 = arith.cmpi slt, %iota3A_20, %sign3A_55 : vector<70x2xi32>
    %sign3A_57 = arith.extui %sign3A_56 : vector<70x2xi1> to vector<70x2xi32>
    %sign3A_58 = arith.subi %sign3A_53, %sign3A_57 : vector<70x2xi32>
    %sign3A_59 = arith.constant 0 : i32
    %sign3A_60 = arith.cmpi sgt, %jit3A_47, %sign3A_59 : i32
    %sign3A_61 = arith.extui %sign3A_60 : i1 to i32
    %sign3A_62 = arith.constant 0 : i32
    %sign3A_63 = arith.cmpi slt, %jit3A_47, %sign3A_62 : i32
    %sign3A_64 = arith.extui %sign3A_63 : i1 to i32
    %sign3A_65 = arith.subi %sign3A_61, %sign3A_64 : i32
    %ne3A_66 = vector.broadcast %sign3A_65 : i32 to vector<70x2xi32>
    %ne3A_67 = arith.cmpi ne, %sign3A_58, %ne3A_66 : vector<70x2xi32>
    %rem3A_68 = vector.broadcast %jit3A_47 : i32 to vector<70x2xi32>
    %rem3A_69 = arith.remsi %iota3A_20, %rem3A_68 : vector<70x2xi32>
    %ne3A_70 = arith.constant 0 : i32
    %ne3A_71 = vector.broadcast %ne3A_70 : i32 to vector<70x2xi32>
    %ne3A_72 = arith.cmpi ne, %rem3A_69, %ne3A_71 : vector<70x2xi32>
    %and3A_73 = arith.andi %ne3A_67, %ne3A_72 : vector<70x2xi1>
    %sub3A_74 = arith.constant 1 : i32
    %sub3A_75 = vector.broadcast %sub3A_74 : i32 to vector<70x2xi32>
    %sub3A_76 = arith.subi %div3A_49, %sub3A_75 : vector<70x2xi32>
    %select_n3A_77 = arith.select %and3A_73, %sub3A_76, %div3A_49 : vector<70x2xi1>, vector<70x2xi32>
    %jit3A_78 = arith.constant 2 : i32
    %eq3A_79 = arith.constant 0 : i32
    %eq3A_80 = arith.cmpi eq, %jit3A_78, %eq3A_79 : i32
    %jit3A_81 = arith.constant 1 : i32
    %select_n3A_82 = arith.select %eq3A_80, %jit3A_81, %jit3A_78 : i32
    %rem3A_83 = vector.broadcast %select_n3A_82 : i32 to vector<70x2xi32>
    %rem3A_84 = arith.remsi %select_n3A_77, %rem3A_83 : vector<70x2xi32>
    %ne3A_85 = arith.constant 0 : i32
    %ne3A_86 = vector.broadcast %ne3A_85 : i32 to vector<70x2xi32>
    %ne3A_87 = arith.cmpi ne, %rem3A_84, %ne3A_86 : vector<70x2xi32>
    %lt3A = arith.constant 0 : i32
    %lt3A_88 = vector.broadcast %lt3A : i32 to vector<70x2xi32>
    %lt3A_89 = arith.cmpi slt, %rem3A_84, %lt3A_88 : vector<70x2xi32>
    %lt3A_90 = arith.constant 0 : i32
    %lt3A_91 = arith.cmpi slt, %select_n3A_82, %lt3A_90 : i32
    %ne3A_92 = vector.broadcast %lt3A_91 : i1 to vector<70x2xi1>
    %ne3A_93 = vector.broadcast %ne3A_92 : vector<70x2xi1> to vector<70x2xi1>
    %ne3A_94 = arith.xori %lt3A_89, %ne3A_93 : vector<70x2xi1>
    %and3A_95 = arith.andi %ne3A_94, %ne3A_87 : vector<70x2xi1>
    %add3A = vector.broadcast %select_n3A_82 : i32 to vector<70x2xi32>
    %add3A_96 = arith.addi %rem3A_84, %add3A : vector<70x2xi32>
    %select_n3A_97 = arith.select %and3A_95, %add3A_96, %rem3A_84 : vector<70x2xi1>, vector<70x2xi32>
    %iota3A_98 = tpu.iota {dimensions = array<i32: 1>} : vector<70x2xi32>
    %eq3A_99 = arith.cmpi eq, %iota3A_98, %select_n3A_97 : vector<70x2xi32>
    %convert_element_type3A_100 = arith.extui %eq3A_99 : vector<70x2xi1> to vector<70x2xi32>
    %convert_element_type3A_101 = arith.sitofp %convert_element_type3A_100 : vector<70x2xi32> to vector<70x2xf32>
    %jit3A_102 = arith.constant 7 : i32
    %eq3A_103 = arith.constant 0 : i32
    %eq3A_104 = arith.cmpi eq, %jit3A_102, %eq3A_103 : i32
    %jit3A_105 = arith.constant 1 : i32
    %select_n3A_106 = arith.select %eq3A_104, %jit3A_105, %jit3A_102 : i32
    %rem3A_107 = vector.broadcast %select_n3A_106 : i32 to vector<70x7xi32>
    %rem3A_108 = arith.remsi %iota3A_21, %rem3A_107 : vector<70x7xi32>
    %ne3A_109 = arith.constant 0 : i32
    %ne3A_110 = vector.broadcast %ne3A_109 : i32 to vector<70x7xi32>
    %ne3A_111 = arith.cmpi ne, %rem3A_108, %ne3A_110 : vector<70x7xi32>
    %lt3A_112 = arith.constant 0 : i32
    %lt3A_113 = vector.broadcast %lt3A_112 : i32 to vector<70x7xi32>
    %lt3A_114 = arith.cmpi slt, %rem3A_108, %lt3A_113 : vector<70x7xi32>
    %lt3A_115 = arith.constant 0 : i32
    %lt3A_116 = arith.cmpi slt, %select_n3A_106, %lt3A_115 : i32
    %ne3A_117 = vector.broadcast %lt3A_116 : i1 to vector<70x7xi1>
    %ne3A_118 = vector.broadcast %ne3A_117 : vector<70x7xi1> to vector<70x7xi1>
    %ne3A_119 = arith.xori %lt3A_114, %ne3A_118 : vector<70x7xi1>
    %and3A_120 = arith.andi %ne3A_119, %ne3A_111 : vector<70x7xi1>
    %add3A_121 = vector.broadcast %select_n3A_106 : i32 to vector<70x7xi32>
    %add3A_122 = arith.addi %rem3A_108, %add3A_121 : vector<70x7xi32>
    %select_n3A_123 = arith.select %and3A_120, %add3A_122, %rem3A_108 : vector<70x7xi1>, vector<70x7xi32>
    %iota3A_124 = tpu.iota {dimensions = array<i32: 1>} : vector<70x7xi32>
    %eq3A_125 = arith.cmpi eq, %iota3A_124, %select_n3A_123 : vector<70x7xi32>
    %convert_element_type3A_126 = arith.extui %eq3A_125 : vector<70x7xi1> to vector<70x7xi32>
    %convert_element_type3A_127 = arith.sitofp %convert_element_type3A_126 : vector<70x7xi32> to vector<70x7xf32>
    %dot_general3A_128 = arith.constant dense<0.000000e+00> : vector<70x128xf32>
    %dot_general3A_129 = tpu.matmul %convert_element_type3A_46, %dot_general3A_7, %dot_general3A_128 {dimension_numbers = #tpu.dot_dimension_numbers<[1], [0], [0], [1], [0, 0, 1, 1], [], []>, precision = #tpu.contract_precision<fp32>, transpose_lhs_hint = false} : vector<70x5xf32>, vector<5x128xf32>, vector<70x128xf32> -> vector<70x128xf32>
    %dot_general3A_130 = arith.constant dense<0.000000e+00> : vector<70x128xf32>
    %dot_general3A_131 = tpu.matmul %convert_element_type3A_101, %dot_general3A_13, %dot_general3A_130 {dimension_numbers = #tpu.dot_dimension_numbers<[1], [0], [0], [1], [0, 0, 1, 1], [], []>, precision = #tpu.contract_precision<fp32>, transpose_lhs_hint = false} : vector<70x2xf32>, vector<2x128xf32>, vector<70x128xf32> -> vector<70x128xf32>
    %add3A_132 = arith.addf %dot_general3A_129, %dot_general3A_131 : vector<70x128xf32>
    %dot_general3A_133 = arith.constant dense<0.000000e+00> : vector<70x128xf32>
    %dot_general3A_134 = tpu.matmul %convert_element_type3A_127, %dot_general3A_19, %dot_general3A_133 {dimension_numbers = #tpu.dot_dimension_numbers<[1], [0], [0], [1], [0, 0, 1, 1], [], []>, precision = #tpu.contract_precision<fp32>, transpose_lhs_hint = false} : vector<70x7xf32>, vector<7x128xf32>, vector<70x128xf32> -> vector<70x128xf32>
    %add3A_135 = arith.addf %add3A_132, %dot_general3A_134 : vector<70x128xf32>
    %get3A_136 = arith.constant 0 : index
    %get3A_137 = arith.constant 0 : index
    %get3A_138 = vector.load %arg4[%get3A_136, %get3A_137] : memref<1x128xf32, #tpu.memory_space<vmem>>, vector<1x128xf32>
    %add3A_139 = vector.broadcast %get3A_138 : vector<1x128xf32> to vector<70x128xf32>
    %add3A_140 = arith.addf %add3A_135, %add3A_139 : vector<70x128xf32>
    %ge3A = arith.constant 0.000000e+00 : f32
    %ge3A_141 = vector.broadcast %ge3A : f32 to vector<70x128xf32>
    %ge3A_142 = arith.cmpf oge, %add3A_140, %ge3A_141 : vector<70x128xf32>
    %mul3A_143 = arith.constant 2.000000e-01 : f32
    %mul3A_144 = vector.broadcast %mul3A_143 : f32 to vector<70x128xf32>
    %mul3A_145 = arith.mulf %mul3A_144, %add3A_140 : vector<70x128xf32>
    %select_n3A_146 = arith.select %ge3A_142, %add3A_140, %mul3A_145 : vector<70x128xi1>, vector<70x128xf32>
    %swap3A = arith.constant 0 : index
    %swap3A_147 = arith.constant 0 : index
    %swap3A_148 = vector.load %arg5[%swap3A, %swap3A_147] : memref<70x128xf32, #tpu.memory_space<vmem>>, vector<70x128xf32>
    tpu.vector_store %arg5[%swap3A, %swap3A_147], %select_n3A_146 {strides = array<i32>} : memref<70x128xf32, #tpu.memory_space<vmem>>, vector<70x128xf32>,
    return
  }
}

</mosaic_0001>

<sc_bundles>
// kernel: kernel.4.cloned.1.call-start
scs
__scs_entry_jumppad:
0x0: {  	(pc) =	sbr.rel $0x88, $3  }
0x1: {  	(tag) =	ssettag $0x0;
	lr =	simm.s32 $0x1  }
0x2: {  	[smem:$0x3F99] =	sst lr;
	_ =	strace $0xD0000000  }
0x3: {  	_ = 	snop  }
0x4: {  	_ = 	snop  }
0x5: {  	_ = 	snop  }
0x6: {  	_ = 	snop  }
0x7: {  	_ = 	snop  }
__scs_overlays_trampoline_lowered:
0x8: {  	[smem:$0x3FA8] =	sst s0  }
0x9: {  	[smem:$0x3FA9] =	sst s1  }
0xa: {  	[smem:$0x3FAA] =	sst s2  }
0xb: {  	[smem:$0x3FAB] =	sst s3  }
0xc: {  	[smem:$0x3FAC] =	sst s4  }
0xd: {  	[smem:$0x3FAD] =	sst s5  }
0xe: {  	[smem:$0x3FAE] =	sst s6  }
0xf: {  	[smem:$0x3FAF] =	sst s7  }
0x10: {  	[smem:$0x3FB0] =	sst s8  }
0x11: {  	[smem:$0x3FB1] =	sst s9;
	s0 =	simm.s32 @!p0 $0x0  }
0x12: {  	s1 =	sld [smem:$0x3F97];
	s0 =	simm.s32 @p0 $0x1  }
0x13: {  	[smem:$0x3FB2] =	sst s0;
	s0 =	simm.s32 @!p1 $0x0  }
0x14: {  	s2 =	sld [smem:$0x3F96];
	s0 =	simm.s32 @p1 $0x1  }
0x15: {  	[smem:$0x3FB3] =	sst s0;
	s0 =	simm.s32 @!p2 $0x0  }
0x16: {  	s3 =	sld [smem:$0x3FDB];
	s0 =	simm.s32 @p2 $0x1  }
0x17: {  	s4 =	simm.s32 $0x1BF5;
	[smem:$0x3FB5] =	sst s0  }
0x18: {  	s0 =	sld [smem:$0x3F98];
	_ =	swait.ge [sflag:s4], $0x0  }
0x19: {  	s7 =	sld [smem:$0x3F99]  }
0x1a: {  	s8 =	sadd.s32 $0xFFFFE003, lr  }
0x1b: {  	s9 =	sadd.s32 $0xFFFFFEF7, lr;
	s5 =	simm.s32 $0xFFFFFFFF;
	p2 =	slt.u32 s8, $0xFFFFF086  }
0x1c: {  	p1 =	slt.u32 s9, $0xF7A;
	s5 =	simm.s32 @!p2 $0x0  }
0x1d: {  	s5 =	simm.s32 @p1 $0x1;
	p0 =	seq.s32 s7, s2  }
0x1e: {  	s7 =	smul.u32 @!p0 $0xF7A, s2;
	p2 =	seq.s32 @!p0 s5, $0x0  }
0x1f: {  	s9 =	smul.u32 $0xF7A, s1;
	s8 =	simm.s32 @!p0 $0x1BF5;
	p2 =	por !p2, p0  }
0x20: {  	[sflag:s8] =	ssyncset.s32 @!p0 $0xFFFFF086;
	s6 =	sadd.s32 @!p0 s3, s7;
	s7 =	simm.s32 @!p0 $0x108  }
0x21: {  	s3 =	sadd.s32 s3, s9;
	s6 =	sadd.s32 @!p0 $0x88, s6;
	s7 =	simm.s32 @p2 $0x1082  }
0x22: {  	[simem:s7], [sflag:s8] =	dma.local @!p0 [hbm:s6], $0xF7A  }
0x23: {  	s9 =	sor.u32 $0xD0000000, s2;
	s6 =	simm.s32 $0x108;
	_ =	swait.ge @!p0 [sflag:s8], $0x0  }
0x24: {  	s3 =	sadd.s32 $0x88, s3;
	s6 =	simm.s32 @!p1 $0x1082;
	[sflag:s4] =	ssyncset.s32 $0xFFFFF086  }
0x25: {  	[simem:s6], [sflag:s4] =	dma.local [hbm:s3], $0xF7A  }
0x26: {  	[smem:$0x3F99] =	sst s1;
	(tag) =	ssettag s2;
	_ =	strace s9  }
0x27: {  	s1 =	sld [smem:$0x3FA9]  }
0x28: {  	s2 =	sld [smem:$0x3FAA]  }
0x29: {  	s4 =	sld [smem:$0x3FAC]  }
0x2a: {  	p0 =	seq.s32 s5, $0x0;
	s5 =	sld [smem:$0x3FAD]  }
0x2b: {  	s6 =	sld [smem:$0x3FAE]  }
0x2c: {  	s7 =	sld [smem:$0x3FAF]  }
0x2d: {  	s3 =	simm.s32 $0x108;
	s8 =	sld [smem:$0x3FB0]  }
0x2e: {  	s3 =	simm.s32 @!p0 $0x1082;
	s9 =	sld [smem:$0x3FB1]  }
0x2f: {  	lr =	sadd.s32 s0, s3;
	s0 =	sld [smem:$0x3FA8]  }
0x30: {  	s3 =	sld [smem:$0x3FAB]  }
0x31: {  	[smem:$0x3FB4] =	sst s10  }
0x32: {  	s10 =	sld [smem:$0x3FB2];
	_ =	sdelay $0x3  }
0x33: {  	p0 =	seq.s32 s10, $0x1;
	s10 =	sld [smem:$0x3FB4];
	_ =	sdelay $0x3  }
0x34: {  	[smem:$0x3FB4] =	sst s10  }
0x35: {  	s10 =	sld [smem:$0x3FB3];
	_ =	sdelay $0x3  }
0x36: {  	p1 =	seq.s32 s10, $0x1;
	s10 =	sld [smem:$0x3FB4];
	_ =	sdelay $0x3  }
0x37: {  	[smem:$0x3FB4] =	sst s10  }
0x38: {  	s10 =	sld [smem:$0x3FB5]  }
0x39: {  	_ = 	snop;
	(pc) =	sbr.ind lr, $3  }
0x3a: {  	_ = 	snop  }
0x3b: {  	_ = 	snop  }
0x3c: {  	p2 =	seq.s32 s10, $0x1;
	s10 =	sld [smem:$0x3FB4]  }
0x3d: {  	_ =	shalt  }
0x3e: {  	_ =	shalt  }
0x3f: {  	_ =	shalt  }
0x40: {  	_ =	shalt  }
0x41: {  	_ =	shalt  }
0x42: {  	_ =	shalt  }
0x43: {  	_ =	shalt  }
0x44: {  	_ =	shalt  }
0x45: {  	_ =	shalt  }
0x46: {  	_ =	shalt  }
0x47: {  	_ =	shalt  }
0x48: {  	_ =	shalt  }
0x49: {  	_ =	shalt  }
0x4a: {  	_ =	shalt  }
0x4b: {  	_ =	shalt  }
0x4c: {  	_ =	shalt  }
0x4d: {  	_ =	shalt  }
0x4e: {  	_ =	shalt  }
0x4f: {  	_ =	shalt  }
0x50: {  	_ =	shalt  }
0x51: {  	_ =	shalt  }
0x52: {  	_ =	shalt  }
0x53: {  	_ =	shalt  }
0x54: {  	_ =	shalt  }
0x55: {  	_ =	shalt  }
0x56: {  	_ =	shalt  }
0x57: {  	_ =	shalt  }
0x58: {  	_ =	shalt  }
0x59: {  	_ =	shalt  }
0x5a: {  	_ =	shalt  }
0x5b: {  	_ =	shalt  }
0x5c: {  	_ =	shalt  }
0x5d: {  	_ =	shalt  }
0x5e: {  	_ =	shalt  }
0x5f: {  	_ =	shalt  }
0x60: {  	_ =	shalt  }
0x61: {  	_ =	shalt  }
0x62: {  	_ =	shalt  }
0x63: {  	_ =	shalt  }
0x64: {  	_ =	shalt  }
0x65: {  	_ =	shalt  }
0x66: {  	_ =	shalt  }
0x67: {  	_ =	shalt  }
0x68: {  	_ =	shalt  }
0x69: {  	_ =	shalt  }
0x6a: {  	_ =	shalt  }
0x6b: {  	_ =	shalt  }
0x6c: {  	_ =	shalt  }
0x6d: {  	_ =	shalt  }
0x6e: {  	_ =	shalt  }
0x6f: {  	_ =	shalt  }
0x70: {  	_ =	shalt  }
0x71: {  	_ =	shalt  }
0x72: {  	_ =	shalt  }
0x73: {  	_ =	shalt  }
0x74: {  	_ =	shalt  }
0x75: {  	_ =	shalt  }
0x76: {  	_ =	shalt  }
0x77: {  	_ =	shalt  }
0x78: {  	_ =	shalt  }
0x79: {  	_ =	shalt  }
0x7a: {  	_ =	shalt  }
0x7b: {  	_ =	shalt  }
0x7c: {  	_ =	shalt  }
0x7d: {  	_ =	shalt  }
0x7e: {  	_ =	shalt  }
0x7f: {  	_ =	shalt  }
0x80: {  	_ =	shalt  }
0x81: {  	_ =	shalt  }
0x82: {  	_ =	shalt  }
0x83: {  	_ =	shalt  }
0x84: {  	_ =	shalt  }
0x85: {  	_ =	shalt  }
0x86: {  	_ =	shalt  }
0x87: {  	_ =	shalt  }
.Lfunc_end0:
.L_simem_size_0:
called_computation_lowered:
.L_overlay_start_0:
0x88: {  	s2 =	sld [smem:$0x3FD9]  }
0x89: {  	s3 =	sld [smem:$0x3FFE];
	_ =	sdelay $0x1  }
0x8a: {  	s1 =	srdreg.scid  }
0x8b: {  	s0 =	sand.u32 $0x1, s1  }
0x8c: {  	s17 =	sshll.u32 s0, $0xA;
	s2 =	sadd.s32 s3, s2  }
0x8d: {  	s2 =	sadd.s32 s2, s17  }
0x8e: {  	[smem:$0x3FC0] =	sst s2  }
0x8f: {  	_ = 	snop  }
0x90: {  	s2 =	sld [smem:$0x3FC9]  }
0x91: {  	s18 =	sld [smem:$0x3FC8]  }
0x92: {  	s4 =	sld [smem:$0x3FC7]  }
0x93: {  	s5 =	sld [smem:$0x3FD0];
	(tm) =	ssettm $0x1  }
0x94: {  	s6 =	sld [smem:$0x3FFB];
	_ =	sdelay $0x3  }
0x95: {  	_ =	strace s6  }
0x96: {  	s6 =	sld [smem:$0x3FFC];
	_ =	sdelay $0x3  }
0x97: {  	_ =	strace s6  }
0x98: {  	s6 =	sld [smem:$0x3FFD];
	_ =	sdelay $0x3  }
0x99: {  	_ =	strace s6  }
0x9a: {  	_ =	strace $0x8FFFFFFF  }
0x9b: {  	s19 =	sld [smem:$0x3FDB];
	_ =	sdelay $0x1  }
0x9c: {  	s7 =	simm.s32 $_scs_section_size  }
0x9d: {  	s8 =	simm.s32 $_size__tile_overlayer_lowered;
	s9 =	simm.s32 $_tile_overlayer_lowered  }
0x9e: {  	s22 =	simm.s32 $0x1BFF;
	s21 =	sshll.u32 s9, $0x1;
	s6 =	sadd.s32 s7, s19  }
0x9f: {  	s10 =	simm.s32 $0x0;
	s20 =	sshll.u32 s8, $0x1;
	s8 =	sadd.s32 s21, s6  }
0xa0: {  	[timem:s10], [sflag:s22] =	dma.local [hbm:s8], s20  }
0xa1: {  	_ =	swait.ge [sflag:s22], s20  }
0xa2: {  	s7 =	ssub.s32 $0x0, s20;
	[sflag:s22] =	ssyncset.done $0x0  }
0xa3: {  	[sflag:s22] =	ssyncadd.s32 s7;
	_ =	sdelay $0x1  }
0xa4: {  	s23 =	simm.s32 $0x1B8B  }
0xa5: {  	_ =	swait.ge [sflag:s23], $0x1  }
0xa6: {  	[sflag:s23] =	ssyncset.done $0x0  }
0xa7: {  	s25 =	simm.s32 $0x1B8E;
	s24 =	sld [smem:$0x3FFE];
	[sflag:s23] =	ssyncadd.s32 $0xFFFFFFFF  }
0xa8: {  	s26 =	simm.s32 $execute0_lowered;
	[smem:$0x3FD2] =	sst s25  }
0xa9: {  	s8 =	sshll.u32 s26, $0x1;
	_ =	strace $0x80000046;
	[dreg:$0x1] =	wrdreg $0xFFFFFFFF  }
0xaa: {  	s28 =	simm.s32 $_size_execute0_lowered;
	s6 =	sadd.s32 s6, s8;
	[dreg:$0x0] =	wrdreg $0x0  }
0xab: {  	s8 =	sshll.u32 s28, $0x1;
	[dreg:$0x2] =	wrdreg s6  }
0xac: {  	[dreg:$0x3] =	wrdreg s8  }
0xad: {  	[dreg:$0x4] =	wrdreg $0xC0  }
0xae: {  	_ =	task [dreg:s10], $0x5FFFF  }
0xaf: {  	[dreg:$0x1] =	wrdreg $0xFFFFFFFF  }
0xb0: {  	[dreg:$0x0] =	wrdreg $0x60  }
0xb1: {  	[dreg:$0x2] =	wrdreg s24  }
0xb2: {  	[dreg:$0x3] =	wrdreg s2  }
0xb3: {  	[dreg:$0x4] =	wrdreg s18  }
0xb4: {  	[dreg:$0x5] =	wrdreg s4  }
0xb5: {  	[dreg:$0x6] =	wrdreg s5  }
0xb6: {  	[dreg:$0x7] =	wrdreg $0x10A000  }
0xb7: {  	[dreg:$0x8] =	wrdreg $0x9  }
0xb8: {  	_ =	task.clear_ibuf [dreg:s10], $0x9FFFF;
	_ =	strace $0x90000046  }
0xb9: {  	s29 =	simm.s32 $0x9;
	_ =	strace $0x80000048  }
0xba: {  	_ =	swait.ge [sflag:s29], $0x1  }
0xbb: {  	[sflag:s29] =	ssyncadd.s32 $0xFFFFFFFF  }
0xbc: {  	_ =	strace $0x90000048  }
0xbd: {  	_ =	sfence  }
0xbe: {  	s30 =	sld [smem:$0x0];
	_ =	sdelay $0x2  }
0xbf: {  	s31 =	sshll.u32 s1, $0xD;
	s1 =	sshrl.u32 s1, $0x2  }
0xc0: {  	s3 =	sand.u32 $0x4000, s31;
	s1 =	sadd.s32 s1, s30  }
0xc1: {  	s0 =	sor.u32 s3, s0;
	s1 =	sshll.u32 s1, $0x11  }
0xc2: {  	s0 =	sor.u32 s1, s0  }
0xc3: {  	s0 =	sadd.s32 $0x8F2B, s0  }
0xc4: {  	[sflag:s0] =	ssyncadd.remote.s32 $0x1  }
0xc5: {  	_ =	sfence.sel $0xFFFF  }
0xc6: {  	[dreg:$0x0] =	wrdreg $0xFFFFFFFF;
	(pc) =	sbr.abs _section_cstart, $3  }
0xc7: {  	[dreg:$0x1] =	wrdreg $0xFFFFFFFF  }
0xc8: {  	_ =	task.clear_ibuf [dreg:s10], $0x2FFFF;
	_ =	strace $0x9FFFFFFF  }
0xc9: {  	(tm) =	ssettm $0x7FFFFFFF  }
tec
execute0_lowered:
.L_overlay_start_1:
0x0: {  	(tag) =	ssettag $0x1  }
0x1: {  	s3 =	rddreg [dreg:$0x0]  }
0x2: {  	s4 =	rddreg [dreg:$0x1]  }
0x3: {  	s5 =	rddreg [dreg:$0x2]  }
0x4: {  	s6 =	rddreg [dreg:$0x3]  }
0x5: {  	s7 =	rddreg [dreg:$0x4]  }
0x6: {  	s1 =	rddreg [dreg:$0x5]  }
0x7: {  	s2 =	srdreg.scid;
	s8 =	stileid.u32  }
0x8: {  	s24 =	simm.s32 $0x200;
	s25 =	simm.s32 $0x400;
	s26 =	simm.s32 $0x600  }
0x9: {  	s30 =	simm.s32 $0x680;
	s9 =	sand.u32 $0x1, s2;
	s2 =	simm.s32 $0x0  }
0xa: {  	s31 =	simm.s32 $0x700;
	s3 =	sadd.s32 $0xE00, s3;
	[smem:$0x7FF] =	sst s2  }
0xb: {  	s28 =	simm.s32 $0x9;
	_ =	strace $0x80000047;
	[dreg:$0x7] =	wrdreg s3  }
0xc: {  	s29 =	simm.s32 $0xA;
	s10 =	sshll.u32 s8, $0xA;
	[dreg:$0x12] =	wrdreg s24  }
0xd: {  	p0 =	sne.s32 s8, $0x0;
	s8 =	simm.s32 $0x2A00;
	[dreg:$0x13] =	wrdreg s25  }
0xe: {  	s11 =	sshll.u32 s9, $0x9;
	s21 =	ssub.s32 $0x2, s9;
	[dreg:$0x15] =	wrdreg s26  }
0xf: {  	s9 =	simm.s32 $0x4A00;
	s10 =	sor.u32 s11, s10;
	[dreg:$0x16] =	wrdreg s30  }
0x10: {  	s23 =	sshrl.u32 s21, $0x1;
	[dreg:$0x17] =	wrdreg s31;
	s24 =	simm.s32 $0x6  }
0x11: {  	s25 =	simm.s32 $0x7;
	s26 =	simm.s32 $0x8;
	s11 =	sshrl.u32 s10, $0x3  }
0x12: {  	s14 =	sshll.u32 s10, $0x4;
	s12 =	sadd.s32 s4, s11;
	s13 =	sadd.s32 s5, s11  }
0x13: {  	s15 =	sadd.s32 s6, s11;
	s3 =	sadd.s32 s7, s14;
	[dreg:$0x8] =	wrdreg s12  }
0x14: {  	s5 =	ssub.s32 s21, s23;
	s6 =	sshrl.u32 @!p0 s1, $0x3;
	[dreg:$0x9] =	wrdreg s13  }
0x15: {  	s7 =	simm.s32 $0xA00;
	s11 =	simm.s32 $0x6A00;
	[dreg:$0xa] =	wrdreg s15  }
0x16: {  	s14 =	simm.s32 $0x880;
	s4 =	sadd.s32 $0x400, s3;
	[dreg:$0x14] =	wrdreg s6  }
0x17: {  	s21 =	simm.s32 $0x3;
	s16 =	sadd.s32 $0x800, s3;
	[dreg:$0xb] =	wrdreg s4  }
0x18: {  	s23 =	simm.s32 $0x5;
	s17 =	sadd.s32 $0xC00, s3;
	[dreg:$0xc] =	wrdreg s16  }
0x19: {  	s18 =	sadd.s32 $0x1000, s3;
	s19 =	sadd.s32 $0x1400, s3;
	[dreg:$0xd] =	wrdreg s17  }
0x1a: {  	s20 =	sadd.s32 $0x1800, s3;
	s22 =	sadd.s32 $0x1C00, s3;
	[dreg:$0xe] =	wrdreg s18  }
0x1b: {  	s6 =	simm.s32 $0x40;
	s12 =	simm.s32 $0x800;
	[dreg:$0xf] =	wrdreg s19  }
0x1c: {  	s13 =	simm.s32 $0x8A00;
	s15 =	simm.s32 $0xAA00;
	[dreg:$0x10] =	wrdreg s20  }
0x1d: {  	[dreg:$0x11] =	wrdreg s22;
	s4 =	smax.u32 s5, $0x1;
	s5 =	simm.s32 $0x1  }
0x1e: {  	s16 =	simm.s32 $0x900;
	s17 =	simm.s32 $0xCA00;
	s18 =	simm.s32 $0x980  }
0x1f: {  	s19 =	simm.s32 $0xEA00;
	s20 =	simm.s32 $0x2;
	s22 =	simm.s32 $0x4  }
.LBB2_1:
0x20: {  	s30 =	rddreg [dreg:$0x8]  }
0x21: {  	s31 =	rddreg [dreg:$0x9]  }
0x22: {  	s0 =	rddreg [dreg:$0x12]  }
0x23: {  	s10 =	rddreg [dreg:$0x14]  }
0x24: {  	[tilespmem:s2], [sflag:$0x1] =	stream.linear.gather [hbm4b:s30+s2], $0x200, $0x38;
	[tilespmem:$0x10C30] =	vst v63  }
0x25: {  	s30 =	rddreg [dreg:$0x13]  }
0x26: {  	[tilespmem:s0], [sflag:$0x1] =	stream.linear.gather [hbm4b:s31+s2], $0x200, $0x38;
	[tilespmem:$0x10C30] =	vst v63  }
0x27: {  	s0 =	rddreg [dreg:$0xa]  }
0x28: {  	[tilespmem:s30], [sflag:$0x1] =	stream.linear.gather [hbm4b:s0+s2], $0x200, $0x38;
	[tilespmem:$0x10C30] =	vst v63  }
0x29: {  	s31 =	rddreg [dreg:$0x7];
	s0 =	simm.s32 @!p0 $0x1C0B  }
0x2a: {  	[spmem:s10], [sflag:s0] =	dma.local @!p0 [hbm:s31], $0x460  }
0x2b: {  	s0 =	simm.s32 @!p0 $0xB  }
0x2c: {  	_ =	swait.ge @!p0 [sflag:s0], $0x460  }
0x2d: {  	[sflag:s0] =	ssyncset.done @!p0 $0x0  }
0x2e: {  	[sflag:s0] =	ssyncadd.s32 @!p0 $0xFFFFFBA0  }
0x2f: {  	_ =	swait.ge [sflag:s5], $0x200  }
0x30: {  	[sflag:s5] =	ssyncset.done $0x0  }
0x31: {  	[sflag:s5] =	ssyncadd.s32 $0xFFFFFE00  }
0x32: {  	_ =	swait.ge [sflag:s5], $0x200  }
0x33: {  	[sflag:s5] =	ssyncset.done $0x0  }
0x34: {  	[sflag:s5] =	ssyncadd.s32 $0xFFFFFE00  }
0x35: {  	_ =	swait.ge [sflag:s5], $0x200  }
0x36: {  	[sflag:s5] =	ssyncset.done $0x0  }
0x37: {  	[sflag:s5] =	ssyncadd.s32 $0xFFFFFE00  }
0x38: {  	v0 =	vld [tilespmem:$0x0]  }
0x39: {  	v1 =	vld [tilespmem:$0x200]  }
0x3a: {  	v2 =	vld [tilespmem:$0x400]  }
0x3b: {  	v3 =	vld [tilespmem:$0x10]  }
0x3c: {  	v4 =	vld [tilespmem:$0x210]  }
0x3d: {  	v5 =	vld [tilespmem:$0x410]  }
0x3e: {  	v6 =	vld [tilespmem:$0x20]  }
0x3f: {  	v7 =	vld [tilespmem:$0x220]  }
0x40: {  	v8 =	vld [tilespmem:$0x420]  }
0x41: {  	v9 =	vld [tilespmem:$0x30]  }
0x42: {  	v10 =	vld [tilespmem:$0x230]  }
0x43: {  	v11 =	vld [tilespmem:$0x430]  }
0x44: {  	v12 =	vld [tilespmem:$0x40]  }
0x45: {  	v13 =	vld [tilespmem:$0x240]  }
0x46: {  	v14 =	vld [tilespmem:$0x440]  }
0x47: {  	v15 =	vld [tilespmem:$0x50]  }
0x48: {  	v16 =	vld [tilespmem:$0x250]  }
0x49: {  	v17 =	vld [tilespmem:$0x450]  }
0x4a: {  	v18 =	vld [tilespmem:$0x60]  }
0x4b: {  	v19 =	vld [tilespmem:$0x260]  }
0x4c: {  	v20 =	vld [tilespmem:$0x460]  }
0x4d: {  	v21 =	vld [tilespmem:$0x70]  }
0x4e: {  	v22 =	vld [tilespmem:$0x270]  }
0x4f: {  	v23 =	vld [tilespmem:$0x470]  }
0x50: {  	v24 =	vld [tilespmem:$0x80]  }
0x51: {  	v25 =	vld [tilespmem:$0x280]  }
0x52: {  	v26 =	vld [tilespmem:$0x480]  }
0x53: {  	v27 =	vld [tilespmem:$0x90]  }
0x54: {  	v28 =	vld [tilespmem:$0x290]  }
0x55: {  	v29 =	vld [tilespmem:$0x490]  }
0x56: {  	v30 =	vld [tilespmem:$0xA0]  }
0x57: {  	v31 =	vld [tilespmem:$0x2A0]  }
0x58: {  	v32 =	vld [tilespmem:$0x4A0]  }
0x59: {  	v33 =	vld [tilespmem:$0xB0]  }
0x5a: {  	v34 =	vld [tilespmem:$0x2B0]  }
0x5b: {  	v35 =	vld [tilespmem:$0x4B0]  }
0x5c: {  	v36 =	vld [tilespmem:$0xC0]  }
0x5d: {  	v37 =	vld [tilespmem:$0x2C0]  }
0x5e: {  	v38 =	vld [tilespmem:$0x4C0]  }
0x5f: {  	v39 =	vld [tilespmem:$0xD0]  }
0x60: {  	v40 =	vld [tilespmem:$0x2D0]  }
0x61: {  	v41 =	vld [tilespmem:$0x4D0]  }
0x62: {  	v42 =	vld [tilespmem:$0xE0]  }
0x63: {  	v43 =	vld [tilespmem:$0x2E0]  }
0x64: {  	v44 =	vld [tilespmem:$0x4E0]  }
0x65: {  	v45 =	vld [tilespmem:$0xF0]  }
0x66: {  	v46 =	vld [tilespmem:$0x2F0]  }
0x67: {  	v47 =	vld [tilespmem:$0x4F0]  }
0x68: {  	v48 =	vld [tilespmem:$0x100]  }
0x69: {  	v49 =	vld [tilespmem:$0x300]  }
0x6a: {  	v50 =	vld [tilespmem:$0x500]  }
0x6b: {  	v51 =	vld [tilespmem:$0x110]  }
0x6c: {  	v52 =	vld [tilespmem:$0x310]  }
0x6d: {  	v53 =	vld [tilespmem:$0x510]  }
0x6e: {  	v54 =	vld [tilespmem:$0x120]  }
0x6f: {  	v55 =	vld [tilespmem:$0x320]  }
0x70: {  	v57 =	vld [tilespmem:$0x130];
	v56 =	vmul.u32 $0xE, v0  }
0x71: {  	v58 =	vld [tilespmem:$0x330];
	v1 =	vmul.u32 $0x7, v1;
	v3 =	vmul.u32 $0xE, v3;
	v4 =	vmul.u32 $0x7, v4  }
0x72: {  	v0 =	vld [tilespmem:$0x520];
	v6 =	vmul.u32 $0xE, v6;
	v7 =	vmul.u32 $0x7, v7;
	v61 =	vmul.u32 $0xE, v9  }
0x73: {  	v62 =	vmul.u32 $0x7, v10;
	v63 =	vmul.u32 $0xE, v12;
	v12 =	vld [tilespmem:$0x140];
	v13 =	vmul.u32 $0x7, v13  }
0x74: {  	v15 =	vmul.u32 $0xE, v15;
	v16 =	vmul.u32 $0x7, v16;
	v9 =	vld [tilespmem:$0x150];
	v24 =	vmul.u32 $0xE, v24  }
0x75: {  	v25 =	vmul.u32 $0x7, v25;
	v36 =	vmul.u32 $0xE, v36;
	v60 =	vadd.s32 v6, v7;
	v6 =	vld [tilespmem:$0x530]  }
0x76: {  	v37 =	vmul.u32 $0x7, v37;
	v39 =	vmul.u32 $0xE, v39;
	v1 =	vadd.s32 v56, v1;
	v56 =	vld [tilespmem:$0x340]  }
0x77: {  	v40 =	vmul.u32 $0x7, v40;
	v42 =	vmul.u32 $0xE, v42;
	v3 =	vadd.s32 v3, v4;
	v4 =	vld [tilespmem:$0x540]  }
0x78: {  	v43 =	vmul.u32 $0x7, v43;
	v7 =	vadd.s32 v63, v13;
	v59 =	vadd.s32 v15, v16;
	v16 =	vld [tilespmem:$0x350]  }
0x79: {  	v63 =	vmul.u32 $0x7, v22;
	v22 =	vld [tilespmem:$0x550];
	v1 =	vadd.s32 v2, v1;
	v2 =	vadd.s32 v5, v3  }
0x7a: {  	v15 =	vld [tilespmem:$0x360];
	v3 =	vadd.s32 v8, v60;
	v5 =	vadd.s32 v61, v62;
	v60 =	vmul.u32 $0xE, v18  }
0x7b: {  	v61 =	vmul.u32 $0x7, v19;
	v62 =	vmul.u32 $0xE, v21;
	v7 =	vadd.s32 v14, v7;
	v21 =	vld [tilespmem:$0x560]  }
0x7c: {  	v8 =	vadd.s32 v17, v59;
	v14 =	vadd.s32 v24, v25;
	v18 =	vmul.u32 $0x7, v28;
	v28 =	vld [tilespmem:$0x170]  }
0x7d: {  	v17 =	vmul.u32 $0xE, v27;
	v59 =	vmul.u32 $0xE, v30;
	v19 =	vld [tilespmem:$0x570];
	v5 =	vadd.s32 v11, v5  }
0x7e: {  	v24 =	vld [tilespmem:$0x180];
	[tilespmem:$0x620] =	vst v3;
	v3 =	vadd.s32 v36, v37;
	v36 =	vmul.u32 $0x7, v52;
	v10 =	vadd.s32 v60, v61  }
0x7f: {  	v27 =	vld [tilespmem:$0x380];
	[tilespmem:$0x600] =	vst v1;
	v13 =	vadd.s32 v62, v63;
	v60 =	vmul.u32 $0x7, v31;
	v61 =	vmul.u32 $0xE, v33  }
0x80: {  	v11 =	vld [tilespmem:$0x160];
	v62 =	vmul.u32 $0x7, v34;
	v31 =	vadd.s32 v17, v18;
	[tilespmem:$0x630] =	vst v5;
	v5 =	vadd.s32 v39, v40  }
0x81: {  	[tilespmem:$0x610] =	vst v2;
	v37 =	vld [tilespmem:$0x1A0];
	v3 =	vadd.s32 v38, v3;
	v12 =	vmul.u32 $0xE, v12;
	v52 =	vmul.u32 $0xE, v9  }
0x82: {  	[tilespmem:$0x680] =	vst v7;
	v18 =	vld [tilespmem:$0x580];
	v63 =	vadd.s32 v20, v10;
	v30 =	vadd.s32 v23, v13;
	v13 =	vadd.s32 v26, v14  }
0x83: {  	[tilespmem:$0x690] =	vst v8;
	v40 =	vld [tilespmem:$0x3A0];
	v2 =	vadd.s32 v29, v31;
	v5 =	vadd.s32 v41, v5;
	v41 =	vmul.u32 $0xE, v54  }
0x84: {  	v14 =	vld [tilespmem:$0x370];
	[tilespmem:$0x780] =	vst v3;
	v33 =	vadd.s32 v59, v60;
	v34 =	vadd.s32 v61, v62;
	v61 =	vadd.s32 v42, v43  }
0x85: {  	v20 =	vld [tilespmem:$0x190];
	[tilespmem:$0x6A0] =	vst v63;
	v62 =	vmul.u32 $0xE, v45;
	v63 =	vmul.u32 $0x7, v46;
	v42 =	vmul.u32 $0x7, v55  }
0x86: {  	v26 =	vld [tilespmem:$0x390];
	[tilespmem:$0x6B0] =	vst v30;
	v43 =	vmul.u32 $0xE, v57;
	v45 =	vmul.u32 $0x7, v56;
	v55 =	vmul.u32 $0x7, v15  }
0x87: {  	v31 =	vld [tilespmem:$0x590];
	[tilespmem:$0x700] =	vst v13;
	v59 =	vadd.s32 v32, v33;
	v60 =	vadd.s32 v35, v34;
	v33 =	vmul.u32 $0xE, v48  }
0x88: {  	v54 =	vld [tilespmem:$0x1C0];
	[tilespmem:$0x710] =	vst v2;
	v34 =	vmul.u32 $0x7, v49;
	v35 =	vmul.u32 $0xE, v51;
	v8 =	vadd.s32 v44, v61  }
0x89: {  	v30 =	vld [tilespmem:$0x5A0];
	[tilespmem:$0x790] =	vst v5;
	v44 =	vmul.u32 $0x7, v58;
	v56 =	vmul.u32 $0xE, v28;
	v28 =	vmul.u32 $0xE, v24  }
0x8a: {  	v46 =	vld [tilespmem:$0x1B0];
	v29 =	vmul.u32 $0x7, v27;
	v1 =	vadd.s32 v62, v63;
	[tilespmem:$0x720] =	vst v59;
	v49 =	vadd.s32 v41, v42  }
0x8b: {  	v57 =	vld [tilespmem:$0x3C0];
	[tilespmem:$0x730] =	vst v60;
	v12 =	vadd.s32 v12, v45;
	v11 =	vmul.u32 $0xE, v11;
	v38 =	vadd.s32 v33, v34  }
0x8c: {  	v48 =	vld [tilespmem:$0x3B0];
	[tilespmem:$0x7A0] =	vst v8;
	v39 =	vadd.s32 v35, v36;
	v1 =	vadd.s32 v47, v1;
	v0 =	vadd.s32 v0, v49  }
0x8d: {  	v51 =	vld [tilespmem:$0x5B0];
	v4 =	vadd.s32 v4, v12;
	v36 =	vmul.u32 $0xE, v37;
	v37 =	vmul.u32 $0x7, v40;
	[tilespmem:$0x7B0] =	vst v1  }
0x8e: {  	v59 =	vld [tilespmem:$0x5C0];
	v2 =	vadd.s32 v50, v38;
	v47 =	vadd.s32 v53, v39;
	v50 =	vadd.s32 v43, v44;
	[tilespmem:$0x820] =	vst v0  }
0x8f: {  	v62 =	vld [tilespmem:$0x1D0];
	v53 =	vmul.u32 $0x7, v16;
	v14 =	vmul.u32 $0x7, v14;
	v1 =	vadd.s32 v11, v55;
	[tilespmem:$0x880] =	vst v4  }
0x90: {  	v42 =	vld [tilespmem:$0x1F0];
	v32 =	vmul.u32 $0xE, v20;
	v35 =	vmul.u32 $0x7, v26;
	v39 =	vadd.s32 v28, v29;
	[tilespmem:$0x800] =	vst v2  }
0x91: {  	v45 =	vld [tilespmem:$0x3F0];
	v58 =	vadd.s32 v6, v50;
	[tilespmem:$0x810] =	vst v47;
	v1 =	vadd.s32 v21, v1;
	v40 =	vmul.u32 $0xE, v46  }
0x92: {  	v34 =	vld [tilespmem:$0x1E0];
	v0 =	vadd.s32 v18, v39;
	v44 =	vadd.s32 v36, v37;
	v46 =	vmul.u32 $0xE, v54;
	[tilespmem:$0x830] =	vst v58  }
0x93: {  	v38 =	vld [tilespmem:$0x3E0];
	v47 =	vmul.u32 $0x7, v57;
	v60 =	vadd.s32 v52, v53;
	v41 =	vmul.u32 $0x7, v48;
	[tilespmem:$0x8A0] =	vst v1  }
0x94: {  	v61 =	vadd.s32 v56, v14;
	[tilespmem:$0x900] =	vst v0;
	v50 =	vadd.s32 v30, v44;
	v63 =	vadd.s32 v22, v60;
	v22 =	vld [tilespmem:$0x3D0]  }
0x95: {  	v54 =	vld [tilespmem:$0x5F0];
	v43 =	vadd.s32 v32, v35;
	v21 =	vadd.s32 v19, v61;
	[tilespmem:$0x920] =	vst v50;
	v2 =	vadd.s32 v40, v41  }
0x96: {  	v49 =	vadd.s32 v31, v43;
	v52 =	vadd.s32 v46, v47;
	[tilespmem:$0x890] =	vst v63;
	v2 =	vadd.s32 v51, v2;
	v51 =	vld [tilespmem:$0x5E0]  }
0x97: {  	v48 =	vld [tilespmem:$0x5D0];
	v58 =	vmul.u32 $0xE, v42;
	[tilespmem:$0x8B0] =	vst v21;
	v0 =	vadd.s32 v59, v52;
	v59 =	vmul.u32 $0x7, v45  }
0x98: {  	[tilespmem:$0x910] =	vst v49;
	v55 =	vmul.u32 $0xE, v34;
	v56 =	vmul.u32 $0x7, v38  }
0x99: {  	v53 =	vmul.u32 $0xE, v62;
	[tilespmem:$0x980] =	vst v0;
	v62 =	vadd.s32 v58, v59;
	v6 =	vmul.u32 $0x7, v22  }
0x9a: {  	[tilespmem:$0x930] =	vst v2;
	v1 =	vadd.s32 v55, v56;
	v63 =	vadd.s32 v54, v62  }
0x9b: {  	[tilespmem:$0x9B0] =	vst v63;
	v57 =	vadd.s32 v53, v6;
	v61 =	vadd.s32 v51, v1  }
0x9c: {  	v60 =	vadd.s32 v48, v57;
	[tilespmem:$0x9A0] =	vst v61  }
0x9d: {  	[tilespmem:$0x990] =	vst v60  }
0x9e: {  	[bflag:$0x0] =	sbarrier.arrive $0xFFFF  }
0x9f: {  	s10 =	rddreg [dreg:$0x15]  }
0xa0: {  	[tilespmem:s7], [sflag:$0x2] =	stream.indirect.gather [spmem:s1], $0x80, s10, s6, $0xb8;
	[tilespmem:$0x10C30] =	vst v63  }
0xa1: {  	s30 =	rddreg [dreg:$0x16]  }
0xa2: {  	[tilespmem:s8], [sflag:$0x3] =	stream.indirect.gather [spmem:s1], $0x80, s30, s6, $0xb8;
	[tilespmem:$0x10C30] =	vst v63  }
0xa3: {  	s31 =	rddreg [dreg:$0x17]  }
0xa4: {  	[tilespmem:s9], [sflag:$0x4] =	stream.indirect.gather [spmem:s1], $0x80, s31, s6, $0xb8;
	[tilespmem:$0x10C30] =	vst v63  }
0xa5: {  	s30 =	simm.s32 $0x780  }
0xa6: {  	[tilespmem:s11], [sflag:$0x5] =	stream.indirect.gather [spmem:s1], $0x80, s30, s6, $0xb8;
	[tilespmem:$0x10C30] =	vst v63  }
0xa7: {  	_ = 	snop  }
0xa8: {  	[tilespmem:s13], [sflag:$0x6] =	stream.indirect.gather [spmem:s1], $0x80, s12, s6, $0xb8;
	[tilespmem:$0x10C30] =	vst v63  }
0xa9: {  	_ = 	snop  }
0xaa: {  	[tilespmem:s15], [sflag:$0x7] =	stream.indirect.gather [spmem:s1], $0x80, s14, s6, $0xb8;
	[tilespmem:$0x10C30] =	vst v63  }
0xab: {  	_ = 	snop  }
0xac: {  	[tilespmem:s17], [sflag:$0x8] =	stream.indirect.gather [spmem:s1], $0x80, s16, s6, $0xb8;
	[tilespmem:$0x10C30] =	vst v63  }
0xad: {  	_ = 	snop  }
0xae: {  	[tilespmem:s19], [sflag:$0x9] =	stream.indirect.gather [spmem:s1], $0x80, s18, s6, $0xb8;
	[tilespmem:$0x10C30] =	vst v63  }
0xaf: {  	_ =	swait.ge [sflag:s20], $0x2000  }
0xb0: {  	[sflag:s20] =	ssyncset.done $0x0  }
0xb1: {  	[sflag:s20] =	ssyncadd.s32 $0xFFFFE000  }
0xb2: {  	[hbm4b:s3+s2] =	stream.linear.scatter [tilespmem:s7], [sflag:$0xA], $0x2000, $0x38;
	[tilespmem:$0x10C30] =	vst v63  }
0xb3: {  	_ =	swait.ge [sflag:s21], $0x2000  }
0xb4: {  	[sflag:s21] =	ssyncset.done $0x0  }
0xb5: {  	s31 =	rddreg [dreg:$0xb];
	[sflag:s21] =	ssyncadd.s32 $0xFFFFE000  }
0xb6: {  	[hbm4b:s31+s2] =	stream.linear.scatter [tilespmem:s8], [sflag:$0xA], $0x2000, $0x38;
	[tilespmem:$0x10C30] =	vst v63  }
0xb7: {  	_ =	swait.ge [sflag:s22], $0x2000  }
0xb8: {  	[sflag:s22] =	ssyncset.done $0x0  }
0xb9: {  	s10 =	rddreg [dreg:$0xc];
	[sflag:s22] =	ssyncadd.s32 $0xFFFFE000  }
0xba: {  	[hbm4b:s10+s2] =	stream.linear.scatter [tilespmem:s9], [sflag:$0xA], $0x2000, $0x38;
	[tilespmem:$0x10C30] =	vst v63  }
0xbb: {  	_ =	swait.ge [sflag:s23], $0x2000  }
0xbc: {  	[sflag:s23] =	ssyncset.done $0x0  }
0xbd: {  	s30 =	rddreg [dreg:$0xd];
	[sflag:s23] =	ssyncadd.s32 $0xFFFFE000  }
0xbe: {  	[hbm4b:s30+s2] =	stream.linear.scatter [tilespmem:s11], [sflag:$0xA], $0x2000, $0x38;
	[tilespmem:$0x10C30] =	vst v63  }
0xbf: {  	_ =	swait.ge [sflag:s24], $0x2000  }
0xc0: {  	[sflag:s24] =	ssyncset.done $0x0  }
0xc1: {  	s31 =	rddreg [dreg:$0xe];
	[sflag:s24] =	ssyncadd.s32 $0xFFFFE000  }
0xc2: {  	[hbm4b:s31+s2] =	stream.linear.scatter [tilespmem:s13], [sflag:$0xA], $0x2000, $0x38;
	[tilespmem:$0x10C30] =	vst v63  }
0xc3: {  	_ =	swait.ge [sflag:s25], $0x2000  }
0xc4: {  	[sflag:s25] =	ssyncset.done $0x0  }
0xc5: {  	s10 =	rddreg [dreg:$0xf];
	[sflag:s25] =	ssyncadd.s32 $0xFFFFE000  }
0xc6: {  	[hbm4b:s10+s2] =	stream.linear.scatter [tilespmem:s15], [sflag:$0xA], $0x2000, $0x38;
	[tilespmem:$0x10C30] =	vst v63  }
0xc7: {  	_ =	swait.ge [sflag:s26], $0x2000  }
0xc8: {  	[sflag:s26] =	ssyncset.done $0x0  }
0xc9: {  	s30 =	rddreg [dreg:$0x10];
	[sflag:s26] =	ssyncadd.s32 $0xFFFFE000  }
0xca: {  	[hbm4b:s30+s2] =	stream.linear.scatter [tilespmem:s17], [sflag:$0xA], $0x2000, $0x38;
	[tilespmem:$0x10C30] =	vst v63  }
0xcb: {  	_ =	swait.ge [sflag:s28], $0x2000  }
0xcc: {  	[sflag:s28] =	ssyncset.done $0x0  }
0xcd: {  	s31 =	rddreg [dreg:$0x11];
	[sflag:s28] =	ssyncadd.s32 $0xFFFFE000  }
0xce: {  	[hbm4b:s31+s2] =	stream.linear.scatter [tilespmem:s19], [sflag:$0xA], $0x2000, $0x38;
	[tilespmem:$0x10C30] =	vst v63  }
0xcf: {  	_ =	swait.ge [sflag:s29], $0x2000  }
0xd0: {  	[sflag:s29] =	ssyncset.done $0x0  }
0xd1: {  	[sflag:s29] =	ssyncadd.s32 $0xFFFFE000  }
0xd2: {  	_ =	swait.ge [sflag:s29], $0x2000  }
0xd3: {  	[sflag:s29] =	ssyncset.done $0x0  }
0xd4: {  	[sflag:s29] =	ssyncadd.s32 $0xFFFFE000  }
0xd5: {  	_ =	swait.ge [sflag:s29], $0x2000  }
0xd6: {  	[sflag:s29] =	ssyncset.done $0x0  }
0xd7: {  	[sflag:s29] =	ssyncadd.s32 $0xFFFFE000  }
0xd8: {  	_ =	swait.ge [sflag:s29], $0x2000  }
0xd9: {  	[sflag:s29] =	ssyncset.done $0x0  }
0xda: {  	[sflag:s29] =	ssyncadd.s32 $0xFFFFE000  }
0xdb: {  	_ =	swait.ge [sflag:s29], $0x2000  }
0xdc: {  	[sflag:s29] =	ssyncset.done $0x0  }
0xdd: {  	[sflag:s29] =	ssyncadd.s32 $0xFFFFE000  }
0xde: {  	_ =	swait.ge [sflag:s29], $0x2000  }
0xdf: {  	[sflag:s29] =	ssyncset.done $0x0  }
0xe0: {  	s4 =	sadd.s32 $0xFFFFFFFF, s4;
	[sflag:s29] =	ssyncadd.s32 $0xFFFFE000  }
0xe1: {  	p1 =	sne.s32 s4, $0x0;
	_ =	swait.ge [sflag:s29], $0x2000  }
.Ltmp0:
0xe2: {  	[sflag:s29] =	ssyncset.done $0x0;
	(pc) =	sbr.rel @p1 .LBB2_1-.Ltmp0, $4  }
0xe3: {  	[sflag:s29] =	ssyncadd.s32 $0xFFFFE000  }
0xe4: {  	_ =	swait.ge [sflag:s29], $0x2000  }
0xe5: {  	[sflag:s29] =	ssyncset.done $0x0  }
0xe6: {  	[sflag:s29] =	ssyncadd.s32 $0xFFFFE000  }
0xe7: {  	_ =	sfence.sel $0x180000  }
0xe8: {  	[bflag:$0x0] =	sbarrier.arrive $0xFFFF  }
0xe9: {  	_ =	strace $0x90000047  }
0xea: {  	[bflag:$0x2] =	sbarrier.arrive $0xFFFF  }
0xeb: {  	s0 =	rddreg [dreg:$0x6]  }
0xec: {  	s0 =	sadd.s32 @!p0 $0x100000, s0  }
0xed: {  	[sflag:s0] =	ssyncadd.tile.s32 @!p0 $0x1;
	_ =	shalt  }
.Lfunc_end2:
_tile_overlayer_lowered:
.L_overlay_start_2:
0xee: {  	(tag) =	ssettag $0x2  }
0xef: {  	s0 =	rddreg [dreg:$0x0];
	s2 =	stileid.u32  }
0xf0: {  	s1 =	rddreg [dreg:$0x1];
	p0 =	sne.s32 s2, $0x0  }
0xf1: {  	s3 =	rddreg [dreg:$0x2];
	[bflag:$0x3] =	sbarrier.arrive $0xFFFF;
	s2 =	simm.s32 @!p0 $0x1C0B  }
0xf2: {  	[timem:s3], [sflag:s2] =	dma.local @!p0 [hbm:s0], s1  }
0xf3: {  	s0 =	simm.s32 @!p0 $0xB  }
0xf4: {  	_ =	swait.ge @!p0 [sflag:s0], s1  }
0xf5: {  	s1 =	ssub.s32 @!p0 $0x0, s1;
	[sflag:s0] =	ssyncset.done @!p0 $0x0  }
0xf6: {  	[sflag:s0] =	ssyncadd.s32 @!p0 s1  }
0xf7: {  	[bflag:$0x3] =	sbarrier.arrive $0xFFFF  }
0xf8: {  	_ =	shalt  }

</sc_bundles>
